<compile_context>
chip_gen: v7x
topology: tpu7x:2x2x1
jax: 0.10.2.dev20260603
libtpu: 0.0.44.dev20260713+nightly
codegen_flags: <defaults>
</compile_context>

<pallas_src>
import functools

import jax
import jax.numpy as jnp
from jax import lax
from jax.experimental import pallas as pl
from jax.experimental.pallas import tpu as pltpu
from jax.experimental.pallas import tpu_sc as plsc

N_NODES = 10000
N_PAD = 10240
D = 128
NC, NS = 2, 16
NW = NC * NS
B = 128
NB = 160
NBT = NS * NB
NB0, NB1 = 120, 40
NBM = max(NB0, NB1)
E_PAD = NBT * B
STRIPE = N_PAD // NS
ROW_BLK = 128
ZB = 8


def _sc_mesh():
    return plsc.VectorSubcoreMesh(
        core_axis_name="c", subcore_axis_name="s",
        num_cores=NC, num_subcores=NS)


HB = 128


def _sc_degree(dst_t):
    @functools.partial(
        pl.kernel,
        out_type=jax.ShapeDtypeStruct((HB, 128), jnp.float32),
        mesh=_sc_mesh(),
        compiler_params=pltpu.CompilerParams(needs_layout_passes=False),
        scratch_types=[
            pltpu.VMEM((NB, B), jnp.int32),
            pltpu.VMEM((HB, 128), jnp.float32),
            pltpu.VMEM((1, 128), jnp.int32),
            pltpu.VMEM_SHARED((HB, 128), jnp.float32),
        ],
    )
    def k(dst_hbm, out_hbm, dst_v, hist_v, iden_v, acc_sh):
        c = lax.axis_index("c")
        s = lax.axis_index("s")

        @pl.when(c == 0)
        def _deg_work():
            def zero_row(i, _):
                def zero_lane(jj, _):
                    hist_v[i, pl.ds(jj * 16, 16)] = jnp.zeros((16,), jnp.float32)
                    return 0
                return lax.fori_loop(0, 128 // 16, zero_lane, 0)
            lax.fori_loop(0, HB, zero_row, 0)
            for kk in range(128 // 16):
                iden_v[0, pl.ds(kk * 16, 16)] = lax.iota(jnp.int32, 16) + 16 * kk
            pltpu.sync_copy(hist_v.at[pl.ds(s * (HB // NS), HB // NS)],
                            acc_sh.at[pl.ds(s * (HB // NS), HB // NS)])
            plsc.subcore_barrier()

            pltpu.sync_copy(dst_hbm.at[s], dst_v)
            ones16 = jnp.ones((16,), jnp.float32)
            def hrow(jj, _):
                def hlane(kk, _):
                    v = dst_v[jj, pl.ds(kk * 16, 16)]
                    plsc.addupdate_scatter(
                        hist_v, [jnp.right_shift(v, 7), jnp.bitwise_and(v, 127)],
                        ones16)
                    return 0
                return lax.fori_loop(0, B // 16, hlane, 0)
            lax.fori_loop(0, NB, hrow, 0)

            pltpu.sync_copy(hist_v, acc_sh.at[iden_v.at[0]], add=True)
            plsc.subcore_barrier()

            base = s * (HB // NS)
            pltpu.sync_copy(acc_sh.at[pl.ds(base, HB // NS)],
                            out_hbm.at[pl.ds(base, HB // NS)])
    return k(dst_t)


def _sc_scatter(y_pad, src_f, dst_f):
    @functools.partial(
        pl.kernel,
        out_type=jax.ShapeDtypeStruct((NC, N_PAD, D), jnp.float32),
        mesh=_sc_mesh(),
        scratch_types=[
            pltpu.VMEM((NBM, B), jnp.int32),
            pltpu.VMEM((NBM, B), jnp.int32),
            pltpu.VMEM((B, D), jnp.float32),
            pltpu.VMEM((ZB, D), jnp.float32),
            pltpu.VMEM_SHARED((N_PAD, D), jnp.float32),
            pltpu.SemaphoreType.DMA,
        ],
    )
    def k(y_hbm, src_hbm, dst_hbm, out_hbm,
          src_v, dst_v, rows_v, zero_v, acc_sh, sem):
        c = lax.axis_index("c")
        s = lax.axis_index("s")

        def zero_row(i, _):
            def zero_lane(jj, _):
                zero_v[i, pl.ds(jj * 16, 16)] = jnp.zeros((16,), jnp.float32)
                return 0
            return lax.fori_loop(0, D // 16, zero_lane, 0)
        lax.fori_loop(0, ZB, zero_row, 0)

        base = s * STRIPE
        def zero_stripe(kk, _):
            pltpu.sync_copy(zero_v, acc_sh.at[pl.ds(base + kk * ZB, ZB)])
            return 0
        lax.fori_loop(0, STRIPE // ZB, zero_stripe, 0)
        plsc.subcore_barrier()

        batch0 = jnp.where(c == 0, s * NB0, NS * NB0 + s * NB1)
        cnt = jnp.where(c == 0, NB0, NB1)
        pltpu.sync_copy(src_hbm.at[pl.ds(batch0, NBM)], src_v)
        pltpu.sync_copy(dst_hbm.at[pl.ds(batch0, NBM)], dst_v)
        def body(j, _):
            pltpu.async_copy(y_hbm.at[src_v.at[j]], rows_v, sem).wait()
            pltpu.sync_copy(rows_v, acc_sh.at[dst_v.at[j]], add=True)
            return 0
        lax.fori_loop(0, cnt, body, 0)
        plsc.subcore_barrier()

        pltpu.sync_copy(acc_sh.at[pl.ds(base, STRIPE)],
                        out_hbm.at[c].at[pl.ds(base, STRIPE)])
    return k(y_pad, src_f, dst_f)


def _dis_block(dega, pid):
    deg = jnp.sum(dega, axis=1, keepdims=True) * (1.0 / 16.0)
    row = pid * ROW_BLK + lax.broadcasted_iota(jnp.int32, (ROW_BLK, 1), 0)
    deg = deg + jnp.where(row < N_NODES, 1.0, 0.0)
    return jnp.where(deg > 0, lax.rsqrt(deg), 0.0)


def _tc_first(x_pad, W1, dega):
    def body(x_ref, w_ref, da_ref, y_ref):
        dis = _dis_block(da_ref[...], pl.program_id(0))
        y_ref[...] = jnp.dot(x_ref[...], w_ref[...],
                             preferred_element_type=jnp.float32) * dis
    grid = (N_PAD // ROW_BLK,)
    return pl.pallas_call(
        body,
        grid=grid,
        in_specs=[
            pl.BlockSpec((ROW_BLK, D), lambda i: (i, 0)),
            pl.BlockSpec((D, D), lambda i: (0, 0)),
            pl.BlockSpec((ROW_BLK, 16), lambda i: (i, 0)),
        ],
        out_specs=pl.BlockSpec((ROW_BLK, D), lambda i: (i, 0)),
        out_shape=jax.ShapeDtypeStruct((N_PAD, D), jnp.float32),
    )(x_pad, W1, dega)


def _tc_mid(s1, y1, b1, W2, dega):
    def body(sa_ref, sb_ref, y_ref, b_ref, w_ref, da_ref, o_ref):
        dis = _dis_block(da_ref[...], pl.program_id(0))
        h = dis * (sa_ref[...] + sb_ref[...] + y_ref[...]) + b_ref[...]
        h = jnp.maximum(h, 0.0)
        o_ref[...] = jnp.dot(h, w_ref[...],
                             preferred_element_type=jnp.float32) * dis
    grid = (N_PAD // ROW_BLK,)
    return pl.pallas_call(
        body,
        grid=grid,
        in_specs=[
            pl.BlockSpec((ROW_BLK, D), lambda i: (i, 0)),
            pl.BlockSpec((ROW_BLK, D), lambda i: (i, 0)),
            pl.BlockSpec((ROW_BLK, D), lambda i: (i, 0)),
            pl.BlockSpec((1, D), lambda i: (0, 0)),
            pl.BlockSpec((D, D), lambda i: (0, 0)),
            pl.BlockSpec((ROW_BLK, 16), lambda i: (i, 0)),
        ],
        out_specs=pl.BlockSpec((ROW_BLK, D), lambda i: (i, 0)),
        out_shape=jax.ShapeDtypeStruct((N_PAD, D), jnp.float32),
    )(s1[0], s1[1], y1, b1, W2, dega)


def _tc_last(s2, y2, b2, dega):
    def body(sa_ref, sb_ref, y_ref, b_ref, da_ref, o_ref):
        dis = _dis_block(da_ref[...], pl.program_id(0))
        o_ref[...] = dis * (sa_ref[...] + sb_ref[...] + y_ref[...]) + b_ref[...]
    grid = (N_PAD // ROW_BLK,)
    return pl.pallas_call(
        body,
        grid=grid,
        in_specs=[
            pl.BlockSpec((ROW_BLK, D), lambda i: (i, 0)),
            pl.BlockSpec((ROW_BLK, D), lambda i: (i, 0)),
            pl.BlockSpec((ROW_BLK, D), lambda i: (i, 0)),
            pl.BlockSpec((1, D), lambda i: (0, 0)),
            pl.BlockSpec((ROW_BLK, 16), lambda i: (i, 0)),
        ],
        out_specs=pl.BlockSpec((ROW_BLK, D), lambda i: (i, 0)),
        out_shape=jax.ShapeDtypeStruct((N_PAD, D), jnp.float32),
    )(s2[0], s2[1], y2, b2, dega)


def kernel(x, edge_index, W1, b1, W2, b2):
    x_pad = jnp.pad(x, ((0, N_PAD - N_NODES), (0, 0)))
    npad = E_PAD - edge_index.shape[1]
    pad_col = jnp.full((npad,), N_NODES, jnp.int32)
    src_f = jnp.concatenate([edge_index[0], pad_col]).reshape(NBT, B)
    dst_f = jnp.concatenate([edge_index[1], pad_col]).reshape(NBT, B)
    dst_t = dst_f.reshape(NS, NB, B)
    b1r = b1.reshape(1, D)
    b2r = b2.reshape(1, D)

    deg = _sc_degree(dst_t)
    dega = jnp.tile(deg.reshape(HB * 128, 1)[:N_PAD], (1, 16))

    y1 = _tc_first(x_pad, W1, dega)
    s1 = _sc_scatter(y1, src_f, dst_f)
    y2 = _tc_mid(s1, y1, b1r, W2, dega)
    s2 = _sc_scatter(y2, src_f, dst_f)
    out = _tc_last(s2, y2, b2r, dega)
    return out[:N_NODES]

# --- scband reference (transcript-rebuilt; emitter-appended) ---
"""Pipeline reference for scband-gcnencoder-82188494176916 (READ-ONLY COPY).

The authoritative reference and input builder live on the scoring server;
editing this copy changes nothing except your own understanding.
"""

import jax, jax.numpy as jnp
import numpy as np

N_NODES = 10000
N_EDGES = 320000
D_IN = 128
D_HID = 128
D_OUT = 128


def gcn_conv(x, edge_index, W, b):
    # PyG-style GCNConv: add self-loops, symmetric normalization, linear, scatter-add, bias
    N = x.shape[0]
    loop = jnp.arange(N, dtype=edge_index.dtype)
    row = jnp.concatenate([edge_index[0], loop])  # src
    col = jnp.concatenate([edge_index[1], loop])  # dst
    deg = jnp.zeros((N,), dtype=x.dtype).at[col].add(1.0)
    deg_inv_sqrt = jnp.where(deg > 0, deg ** -0.5, 0.0)
    norm = deg_inv_sqrt[row] * deg_inv_sqrt[col]
    xw = x @ W  # [N, out]
    msg = xw[row] * norm[:, None]  # gather + scale
    out = jnp.zeros((N, xw.shape[1]), dtype=x.dtype).at[col].add(msg)  # scatter-add
    return out + b


def setup_inputs(seed: int = 0) -> dict:
    key = jax.random.key(seed)
    k1, k2, k3, k4, k5, k6 = jax.random.split(key, 6)
    x = jax.random.normal(k1, (N_NODES, D_IN), dtype=jnp.float32)
    edge_index = jax.random.randint(k2, (2, N_EDGES), 0, N_NODES, dtype=jnp.int32)
    # Glorot-style init for GCN weights
    s1 = (6.0 / (D_IN + D_HID)) ** 0.5
    s2 = (6.0 / (D_HID + D_OUT)) ** 0.5
    W1 = jax.random.uniform(k3, (D_IN, D_HID), jnp.float32, -s1, s1)
    b1 = jnp.zeros((D_HID,), jnp.float32)
    W2 = jax.random.uniform(k4, (D_HID, D_OUT), jnp.float32, -s2, s2)
    b2 = jnp.zeros((D_OUT,), jnp.float32)
    return {"x": x, "edge_index": edge_index, "W1": W1, "b1": b1, "W2": W2, "b2": b2}


def reference(x, edge_index, W1, b1, W2, b2):
    # conv1 -> relu -> dropout(eval: identity) -> conv2
    h = gcn_conv(x, edge_index, W1, b1)
    h = jax.nn.relu(h)
    # dropout p=0.5 is identity in eval mode
    out = gcn_conv(h, edge_index, W2, b2)
    return out

if __name__ == "__main__":
    import jax
    _d = setup_inputs()
    print(jax.jit(kernel)(*tuple(_d.values())))

</pallas_src>

<mosaic_0001>
#map = affine_map<(d0, d1) -> (0, 0)>
#map1 = affine_map<(d0, d1) -> (0, 0, 0)>
module attributes {stable_mosaic.version = 14 : i64} {
  func.func @k(%arg0: i32, %arg1: i32, %arg2: memref<10240x128xf32, #tpu.memory_space<hbm>>, %arg3: memref<2560x128xi32, #tpu.memory_space<hbm>>, %arg4: memref<2560x128xi32, #tpu.memory_space<hbm>>, %arg5: memref<2x10240x128xf32, #tpu.memory_space<hbm>>, %arg6: memref<120x128xi32, #tpu.memory_space<vmem>>, %arg7: memref<120x128xi32, #tpu.memory_space<vmem>>, %arg8: memref<128x128xf32, #tpu.memory_space<vmem>>, %arg9: memref<8x128xf32, #tpu.memory_space<vmem>>, %arg10: memref<10240x128xf32, #tpu.memory_space<vmem_shared>>, %arg11: memref<!tpu.dma_semaphore, #tpu.memory_space<semaphore_mem>>) attributes {dimension_semantics = [#tpu.dimension_semantics<core_parallel>, #tpu.dimension_semantics<subcore_parallel>], iteration_bounds = array<i64: 2, 16>, scalar_prefetch = 0 : i64, scratch_operands = 6 : i64, tpu.core_type = #tpu.core_type<sc_vector_subcore>, window_params = [{transform_indices = #map}, {transform_indices = #map}, {transform_indices = #map}, {transform_indices = #map1}]} {
    %scan3A = arith.constant 0 : i32
    %scan3A_0 = arith.constant 0 : i32
    %scan3A_1 = arith.constant 8 : i32
    %scan3A_2 = arith.addi %scan3A_0, %scan3A_1 : i32
    %scan3A_3 = arith.constant 1 : i32
    %scan3A_4 = scf.for %scan3A_36 = %scan3A_0 to %scan3A_2 step %scan3A_3 iter_args(%scan3A_37 = %scan3A) -> (i32)  : i32 {
      %scan3A_38 = arith.constant 0 : i32
      %scan3A_39 = arith.constant 0 : i32
      %scan3A_40 = arith.constant 8 : i32
      %scan3A_41 = arith.addi %scan3A_39, %scan3A_40 : i32
      %scan3A_42 = arith.constant 1 : i32
      %scan3A_43 = scf.for %scan3A_45 = %scan3A_39 to %scan3A_41 step %scan3A_42 iter_args(%scan3A_46 = %scan3A_38) -> (i32)  : i32 {
        %broadcast_in_dim3A = arith.constant 0.000000e+00 : f32
        %broadcast_in_dim3A_47 = vector.broadcast %broadcast_in_dim3A : f32 to vector<16xf32>
        %mul3A_48 = arith.constant 16 : i32
        %mul3A_49 = arith.muli %scan3A_45, %mul3A_48 : i32
        %swap3A = arith.index_cast %scan3A_36 : i32 to index
        %swap3A_50 = arith.index_cast %mul3A_49 : i32 to index
        %swap3A_51 = tpu.vector_load %arg9[%swap3A, %swap3A_50] {strides = array<i32>} : memref<8x128xf32, #tpu.memory_space<vmem>>, vector<1x16xf32>,
        %swap3A_52 = vector.shape_cast %swap3A_51 : vector<1x16xf32> to vector<16xf32>
        %swap3A_53 = vector.shape_cast %broadcast_in_dim3A_47 : vector<16xf32> to vector<1x16xf32>
        tpu.vector_store %arg9[%swap3A, %swap3A_50], %swap3A_53 {strides = array<i32>} : memref<8x128xf32, #tpu.memory_space<vmem>>, vector<1x16xf32>,
        %scan3A_54 = arith.constant 0 : i32
        scf.yield %scan3A_54 : i32
      }
      %scan3A_44 = arith.constant 8 : i32
      scf.yield %scan3A_43 : i32
    }
    %scan3A_5 = arith.constant 8 : i32
    %mul3A = arith.constant 640 : i32
    %mul3A_6 = arith.muli %arg1, %mul3A : i32
    %scan3A_7 = arith.constant 0 : i32
    %scan3A_8 = arith.constant 0 : i32
    %scan3A_9 = arith.constant 80 : i32
    %scan3A_10 = arith.addi %scan3A_8, %scan3A_9 : i32
    %scan3A_11 = arith.constant 1 : i32
    %scan3A_12 = scf.for %scan3A_36 = %scan3A_8 to %scan3A_10 step %scan3A_11 iter_args(%scan3A_37 = %scan3A_7) -> (i32)  : i32 {
      %mul3A_38 = arith.constant 8 : i32
      %mul3A_39 = arith.muli %scan3A_36, %mul3A_38 : i32
      %add3A_40 = arith.addi %mul3A_6, %mul3A_39 : i32
      "tpu.region"() ({
        %run_scoped3A = tpu.sem_alloc : memref<!tpu.dma_semaphore, #tpu.memory_space<semaphore_mem>>
        %dma_start3A = arith.constant 0 : i32
        %dma_start3A_42 = tpu.memref_slice %arg10[%add3A_40, %dma_start3A] : memref<10240x128xf32, #tpu.memory_space<vmem_shared>> -> memref<8x128xf32, #tpu.memory_space<vmem_shared>>
        %dma_start3A_43 = arith.constant 0 : i32
        %dma_start3A_44 = tpu.memref_slice %arg10[%add3A_40, %dma_start3A_43] : memref<10240x128xf32, #tpu.memory_space<vmem_shared>> -> memref<8x128xf32, #tpu.memory_space<vmem_shared>>
        tpu.enqueue_dma source(%arg9 : memref<8x128xf32, #tpu.memory_space<vmem>>) target(%dma_start3A_44 : memref<8x128xf32, #tpu.memory_space<vmem_shared>>) target_semaphore(%run_scoped3A : memref<!tpu.dma_semaphore, #tpu.memory_space<semaphore_mem>>)
        %dma_wait3A = arith.constant 0 : i32
        %dma_wait3A_45 = tpu.memref_slice %arg10[%add3A_40, %dma_wait3A] : memref<10240x128xf32, #tpu.memory_space<vmem_shared>> -> memref<8x128xf32, #tpu.memory_space<vmem_shared>>
        %dma_wait3A_46 = arith.constant 0 : i32
        %dma_wait3A_47 = tpu.memref_slice %arg10[%add3A_40, %dma_wait3A_46] : memref<10240x128xf32, #tpu.memory_space<vmem_shared>> -> memref<8x128xf32, #tpu.memory_space<vmem_shared>>
        tpu.wait_dma2 semaphore(%run_scoped3A : memref<!tpu.dma_semaphore, #tpu.memory_space<semaphore_mem>>) src(%arg9 : memref<8x128xf32, #tpu.memory_space<vmem>>) dst(%dma_wait3A_47 : memref<8x128xf32, #tpu.memory_space<vmem_shared>>)
        tpu.yield
      }) : () -> ()
      %scan3A_41 = arith.constant 0 : i32
      scf.yield %scan3A_41 : i32
    }
    %scan3A_13 = arith.constant 80 : i32
    %barrier3A = arith.constant 0 : index
    tpu.barrier barrier_id(%barrier3A)
    %eq3A = arith.constant 0 : i32
    %eq3A_14 = arith.cmpi eq, %arg0, %eq3A : i32
    %mul3A_15 = arith.constant 120 : i32
    %mul3A_16 = arith.muli %arg1, %mul3A_15 : i32
    %mul3A_17 = arith.constant 40 : i32
    %mul3A_18 = arith.muli %arg1, %mul3A_17 : i32
    %add3A = arith.constant 1920 : i32
    %add3A_19 = arith.addi %add3A, %mul3A_18 : i32
    %select_n3A = arith.select %eq3A_14, %mul3A_16, %add3A_19 : i32
    %eq3A_20 = arith.constant 0 : i32
    %eq3A_21 = arith.cmpi eq, %arg0, %eq3A_20 : i32
    %jit3A = arith.constant 120 : i32
    %jit3A_22 = arith.constant 40 : i32
    %select_n3A_23 = arith.select %eq3A_21, %jit3A, %jit3A_22 : i32
    "tpu.region"() ({
      %run_scoped3A = tpu.sem_alloc : memref<!tpu.dma_semaphore, #tpu.memory_space<semaphore_mem>>
      %dma_start3A = arith.constant 0 : i32
      %dma_start3A_36 = tpu.memref_slice %arg3[%select_n3A, %dma_start3A] : memref<2560x128xi32, #tpu.memory_space<hbm>> -> memref<120x128xi32, #tpu.memory_space<hbm>>
      %dma_start3A_37 = arith.constant 0 : i32
      %dma_start3A_38 = tpu.memref_slice %arg3[%select_n3A, %dma_start3A_37] : memref<2560x128xi32, #tpu.memory_space<hbm>> -> memref<120x128xi32, #tpu.memory_space<hbm>>
      tpu.enqueue_dma source(%dma_start3A_38 : memref<120x128xi32, #tpu.memory_space<hbm>>) target(%arg6 : memref<120x128xi32, #tpu.memory_space<vmem>>) target_semaphore(%run_scoped3A : memref<!tpu.dma_semaphore, #tpu.memory_space<semaphore_mem>>)
      %dma_wait3A = arith.constant 0 : i32
      %dma_wait3A_39 = tpu.memref_slice %arg3[%select_n3A, %dma_wait3A] : memref<2560x128xi32, #tpu.memory_space<hbm>> -> memref<120x128xi32, #tpu.memory_space<hbm>>
      %dma_wait3A_40 = arith.constant 0 : i32
      %dma_wait3A_41 = tpu.memref_slice %arg3[%select_n3A, %dma_wait3A_40] : memref<2560x128xi32, #tpu.memory_space<hbm>> -> memref<120x128xi32, #tpu.memory_space<hbm>>
      tpu.wait_dma2 semaphore(%run_scoped3A : memref<!tpu.dma_semaphore, #tpu.memory_space<semaphore_mem>>) src(%dma_wait3A_41 : memref<120x128xi32, #tpu.memory_space<hbm>>) dst(%arg6 : memref<120x128xi32, #tpu.memory_space<vmem>>)
      tpu.yield
    }) : () -> ()
    "tpu.region"() ({
      %run_scoped3A = tpu.sem_alloc : memref<!tpu.dma_semaphore, #tpu.memory_space<semaphore_mem>>
      %dma_start3A = arith.constant 0 : i32
      %dma_start3A_36 = tpu.memref_slice %arg4[%select_n3A, %dma_start3A] : memref<2560x128xi32, #tpu.memory_space<hbm>> -> memref<120x128xi32, #tpu.memory_space<hbm>>
      %dma_start3A_37 = arith.constant 0 : i32
      %dma_start3A_38 = tpu.memref_slice %arg4[%select_n3A, %dma_start3A_37] : memref<2560x128xi32, #tpu.memory_space<hbm>> -> memref<120x128xi32, #tpu.memory_space<hbm>>
      tpu.enqueue_dma source(%dma_start3A_38 : memref<120x128xi32, #tpu.memory_space<hbm>>) target(%arg7 : memref<120x128xi32, #tpu.memory_space<vmem>>) target_semaphore(%run_scoped3A : memref<!tpu.dma_semaphore, #tpu.memory_space<semaphore_mem>>)
      %dma_wait3A = arith.constant 0 : i32
      %dma_wait3A_39 = tpu.memref_slice %arg4[%select_n3A, %dma_wait3A] : memref<2560x128xi32, #tpu.memory_space<hbm>> -> memref<120x128xi32, #tpu.memory_space<hbm>>
      %dma_wait3A_40 = arith.constant 0 : i32
      %dma_wait3A_41 = tpu.memref_slice %arg4[%select_n3A, %dma_wait3A_40] : memref<2560x128xi32, #tpu.memory_space<hbm>> -> memref<120x128xi32, #tpu.memory_space<hbm>>
      tpu.wait_dma2 semaphore(%run_scoped3A : memref<!tpu.dma_semaphore, #tpu.memory_space<semaphore_mem>>) src(%dma_wait3A_41 : memref<120x128xi32, #tpu.memory_space<hbm>>) dst(%arg7 : memref<120x128xi32, #tpu.memory_space<vmem>>)
      tpu.yield
    }) : () -> ()
    %while3A = arith.constant 0 : i32
    %while3A_24 = arith.constant 0 : i32
    %while3A_25 = arith.subi %select_n3A_23, %while3A : i32
    %while3A_26 = arith.addi %while3A, %while3A_25 : i32
    %while3A_27 = arith.constant 1 : i32
    %while3A_28 = arith.divsi %while3A_25, %while3A_27 : i32
    %while3A_29 = arith.muli %while3A_28, %while3A_27 : i32
    %while3A_30 = arith.addi %while3A, %while3A_29 : i32
    %while3A_31 = arith.constant 1 : i32
    %while3A_32 = scf.for %while3A_36 = %while3A to %while3A_30 step %while3A_31 iter_args(%while3A_37 = %while3A_24) -> (i32)  : i32 {
      %dma_start3A = arith.constant 0 : i32
      %dma_start3A_38 = tpu.memref_slice %arg6[%while3A_36, %dma_start3A] : memref<120x128xi32, #tpu.memory_space<vmem>> -> memref<1x128xi32, #tpu.memory_space<vmem>>
      %dma_start3A_39 = tpu.memref_squeeze %dma_start3A_38 : memref<1x128xi32, #tpu.memory_space<vmem>> -> memref<128xi32, #tpu.memory_space<vmem>>
      %dma_start3A_40 = arith.constant 0 : i32
      %dma_start3A_41 = arith.constant 0 : i32
      %dma_start3A_42 = tpu.memref_slice %arg2[%dma_start3A_40, %dma_start3A_41] : memref<10240x128xf32, #tpu.memory_space<hbm>> -> memref<10240x128xf32, #tpu.memory_space<hbm>>
      tpu.enqueue_indirect_dma source(%dma_start3A_42 : memref<10240x128xf32, #tpu.memory_space<hbm>>) target(%arg8 : memref<128x128xf32, #tpu.memory_space<vmem>>) offsets(%dma_start3A_39 : memref<128xi32, #tpu.memory_space<vmem>>) semaphore(%arg11 : memref<!tpu.dma_semaphore, #tpu.memory_space<semaphore_mem>>)
      %dma_wait3A = arith.constant 0 : i32
      %dma_wait3A_43 = tpu.memref_slice %arg6[%while3A_36, %dma_wait3A] : memref<120x128xi32, #tpu.memory_space<vmem>> -> memref<1x128xi32, #tpu.memory_space<vmem>>
      %dma_wait3A_44 = tpu.memref_squeeze %dma_wait3A_43 : memref<1x128xi32, #tpu.memory_space<vmem>> -> memref<128xi32, #tpu.memory_space<vmem>>
      %dma_wait3A_45 = arith.constant 0 : i32
      %dma_wait3A_46 = arith.constant 0 : i32
      %dma_wait3A_47 = tpu.memref_slice %arg2[%dma_wait3A_45, %dma_wait3A_46] : memref<10240x128xf32, #tpu.memory_space<hbm>> -> memref<10240x128xf32, #tpu.memory_space<hbm>>
      tpu.wait_indirect_dma semaphore(%arg11 : memref<!tpu.dma_semaphore, #tpu.memory_space<semaphore_mem>>) src(%dma_wait3A_47 : memref<10240x128xf32, #tpu.memory_space<hbm>>) dst(%arg8 : memref<128x128xf32, #tpu.memory_space<vmem>>)
      "tpu.region"() ({
        %run_scoped3A = tpu.sem_alloc : memref<!tpu.dma_semaphore, #tpu.memory_space<semaphore_mem>>
        %dma_start3A_49 = arith.constant 0 : i32
        %dma_start3A_50 = tpu.memref_slice %arg7[%while3A_36, %dma_start3A_49] : memref<120x128xi32, #tpu.memory_space<vmem>> -> memref<1x128xi32, #tpu.memory_space<vmem>>
        %dma_start3A_51 = tpu.memref_squeeze %dma_start3A_50 : memref<1x128xi32, #tpu.memory_space<vmem>> -> memref<128xi32, #tpu.memory_space<vmem>>
        %dma_start3A_52 = arith.constant 0 : i32
        %dma_start3A_53 = arith.constant 0 : i32
        %dma_start3A_54 = tpu.memref_slice %arg10[%dma_start3A_52, %dma_start3A_53] : memref<10240x128xf32, #tpu.memory_space<vmem_shared>> -> memref<10240x128xf32, #tpu.memory_space<vmem_shared>>
        tpu.enqueue_indirect_dma source(%arg8 : memref<128x128xf32, #tpu.memory_space<vmem>>) target(%dma_start3A_54 : memref<10240x128xf32, #tpu.memory_space<vmem_shared>>) offsets(%dma_start3A_51 : memref<128xi32, #tpu.memory_space<vmem>>) semaphore(%run_scoped3A : memref<!tpu.dma_semaphore, #tpu.memory_space<semaphore_mem>>) {add = true}
        %dma_wait3A_55 = arith.constant 0 : i32
        %dma_wait3A_56 = tpu.memref_slice %arg7[%while3A_36, %dma_wait3A_55] : memref<120x128xi32, #tpu.memory_space<vmem>> -> memref<1x128xi32, #tpu.memory_space<vmem>>
        %dma_wait3A_57 = tpu.memref_squeeze %dma_wait3A_56 : memref<1x128xi32, #tpu.memory_space<vmem>> -> memref<128xi32, #tpu.memory_space<vmem>>
        %dma_wait3A_58 = arith.constant 0 : i32
        %dma_wait3A_59 = arith.constant 0 : i32
        %dma_wait3A_60 = tpu.memref_slice %arg10[%dma_wait3A_58, %dma_wait3A_59] : memref<10240x128xf32, #tpu.memory_space<vmem_shared>> -> memref<10240x128xf32, #tpu.memory_space<vmem_shared>>
        tpu.wait_indirect_dma semaphore(%run_scoped3A : memref<!tpu.dma_semaphore, #tpu.memory_space<semaphore_mem>>) src(%arg8 : memref<128x128xf32, #tpu.memory_space<vmem>>) dst(%dma_wait3A_60 : memref<10240x128xf32, #tpu.memory_space<vmem_shared>>)
        tpu.yield
      }) : () -> ()
      %while3A_48 = arith.constant 0 : i32
      scf.yield %while3A_48 : i32
    }
    %while3A_33 = arith.constant 1 : i32
    %while3A_34 = scf.for %while3A_36 = %while3A_30 to %while3A_26 step %while3A_33 iter_args(%while3A_37 = %while3A_32) -> (i32)  : i32 {
      %dma_start3A = arith.constant 0 : i32
      %dma_start3A_38 = tpu.memref_slice %arg6[%while3A_36, %dma_start3A] : memref<120x128xi32, #tpu.memory_space<vmem>> -> memref<1x128xi32, #tpu.memory_space<vmem>>
      %dma_start3A_39 = tpu.memref_squeeze %dma_start3A_38 : memref<1x128xi32, #tpu.memory_space<vmem>> -> memref<128xi32, #tpu.memory_space<vmem>>
      %dma_start3A_40 = arith.constant 0 : i32
      %dma_start3A_41 = arith.constant 0 : i32
      %dma_start3A_42 = tpu.memref_slice %arg2[%dma_start3A_40, %dma_start3A_41] : memref<10240x128xf32, #tpu.memory_space<hbm>> -> memref<10240x128xf32, #tpu.memory_space<hbm>>
      tpu.enqueue_indirect_dma source(%dma_start3A_42 : memref<10240x128xf32, #tpu.memory_space<hbm>>) target(%arg8 : memref<128x128xf32, #tpu.memory_space<vmem>>) offsets(%dma_start3A_39 : memref<128xi32, #tpu.memory_space<vmem>>) semaphore(%arg11 : memref<!tpu.dma_semaphore, #tpu.memory_space<semaphore_mem>>)
      %dma_wait3A = arith.constant 0 : i32
      %dma_wait3A_43 = tpu.memref_slice %arg6[%while3A_36, %dma_wait3A] : memref<120x128xi32, #tpu.memory_space<vmem>> -> memref<1x128xi32, #tpu.memory_space<vmem>>
      %dma_wait3A_44 = tpu.memref_squeeze %dma_wait3A_43 : memref<1x128xi32, #tpu.memory_space<vmem>> -> memref<128xi32, #tpu.memory_space<vmem>>
      %dma_wait3A_45 = arith.constant 0 : i32
      %dma_wait3A_46 = arith.constant 0 : i32
      %dma_wait3A_47 = tpu.memref_slice %arg2[%dma_wait3A_45, %dma_wait3A_46] : memref<10240x128xf32, #tpu.memory_space<hbm>> -> memref<10240x128xf32, #tpu.memory_space<hbm>>
      tpu.wait_indirect_dma semaphore(%arg11 : memref<!tpu.dma_semaphore, #tpu.memory_space<semaphore_mem>>) src(%dma_wait3A_47 : memref<10240x128xf32, #tpu.memory_space<hbm>>) dst(%arg8 : memref<128x128xf32, #tpu.memory_space<vmem>>)
      "tpu.region"() ({
        %run_scoped3A = tpu.sem_alloc : memref<!tpu.dma_semaphore, #tpu.memory_space<semaphore_mem>>
        %dma_start3A_49 = arith.constant 0 : i32
        %dma_start3A_50 = tpu.memref_slice %arg7[%while3A_36, %dma_start3A_49] : memref<120x128xi32, #tpu.memory_space<vmem>> -> memref<1x128xi32, #tpu.memory_space<vmem>>
        %dma_start3A_51 = tpu.memref_squeeze %dma_start3A_50 : memref<1x128xi32, #tpu.memory_space<vmem>> -> memref<128xi32, #tpu.memory_space<vmem>>
        %dma_start3A_52 = arith.constant 0 : i32
        %dma_start3A_53 = arith.constant 0 : i32
        %dma_start3A_54 = tpu.memref_slice %arg10[%dma_start3A_52, %dma_start3A_53] : memref<10240x128xf32, #tpu.memory_space<vmem_shared>> -> memref<10240x128xf32, #tpu.memory_space<vmem_shared>>
        tpu.enqueue_indirect_dma source(%arg8 : memref<128x128xf32, #tpu.memory_space<vmem>>) target(%dma_start3A_54 : memref<10240x128xf32, #tpu.memory_space<vmem_shared>>) offsets(%dma_start3A_51 : memref<128xi32, #tpu.memory_space<vmem>>) semaphore(%run_scoped3A : memref<!tpu.dma_semaphore, #tpu.memory_space<semaphore_mem>>) {add = true}
        %dma_wait3A_55 = arith.constant 0 : i32
        %dma_wait3A_56 = tpu.memref_slice %arg7[%while3A_36, %dma_wait3A_55] : memref<120x128xi32, #tpu.memory_space<vmem>> -> memref<1x128xi32, #tpu.memory_space<vmem>>
        %dma_wait3A_57 = tpu.memref_squeeze %dma_wait3A_56 : memref<1x128xi32, #tpu.memory_space<vmem>> -> memref<128xi32, #tpu.memory_space<vmem>>
        %dma_wait3A_58 = arith.constant 0 : i32
        %dma_wait3A_59 = arith.constant 0 : i32
        %dma_wait3A_60 = tpu.memref_slice %arg10[%dma_wait3A_58, %dma_wait3A_59] : memref<10240x128xf32, #tpu.memory_space<vmem_shared>> -> memref<10240x128xf32, #tpu.memory_space<vmem_shared>>
        tpu.wait_indirect_dma semaphore(%run_scoped3A : memref<!tpu.dma_semaphore, #tpu.memory_space<semaphore_mem>>) src(%arg8 : memref<128x128xf32, #tpu.memory_space<vmem>>) dst(%dma_wait3A_60 : memref<10240x128xf32, #tpu.memory_space<vmem_shared>>)
        tpu.yield
      }) : () -> ()
      %while3A_48 = arith.constant 0 : i32
      scf.yield %while3A_48 : i32
    }
    %barrier3A_35 = arith.constant 0 : index
    tpu.barrier barrier_id(%barrier3A_35)
    "tpu.region"() ({
      %run_scoped3A = tpu.sem_alloc : memref<!tpu.dma_semaphore, #tpu.memory_space<semaphore_mem>>
      %dma_start3A = arith.constant 0 : i32
      %dma_start3A_36 = arith.constant 0 : i32
      %dma_start3A_37 = tpu.memref_slice %arg5[%arg0, %dma_start3A, %dma_start3A_36] : memref<2x10240x128xf32, #tpu.memory_space<hbm>> -> memref<1x10240x128xf32, #tpu.memory_space<hbm>>
      %dma_start3A_38 = tpu.memref_squeeze %dma_start3A_37 : memref<1x10240x128xf32, #tpu.memory_space<hbm>> -> memref<10240x128xf32, #tpu.memory_space<hbm>>
      %dma_start3A_39 = arith.constant 0 : i32
      %dma_start3A_40 = tpu.memref_slice %dma_start3A_38[%mul3A_6, %dma_start3A_39] : memref<10240x128xf32, #tpu.memory_space<hbm>> -> memref<640x128xf32, #tpu.memory_space<hbm>>
      %dma_start3A_41 = arith.constant 0 : i32
      %dma_start3A_42 = tpu.memref_slice %arg10[%mul3A_6, %dma_start3A_41] : memref<10240x128xf32, #tpu.memory_space<vmem_shared>> -> memref<640x128xf32, #tpu.memory_space<vmem_shared>>
      tpu.enqueue_dma source(%dma_start3A_42 : memref<640x128xf32, #tpu.memory_space<vmem_shared>>) target(%dma_start3A_40 : memref<640x128xf32, #tpu.memory_space<hbm>>) target_semaphore(%run_scoped3A : memref<!tpu.dma_semaphore, #tpu.memory_space<semaphore_mem>>)
      %dma_wait3A = arith.constant 0 : i32
      %dma_wait3A_43 = arith.constant 0 : i32
      %dma_wait3A_44 = tpu.memref_slice %arg5[%arg0, %dma_wait3A, %dma_wait3A_43] : memref<2x10240x128xf32, #tpu.memory_space<hbm>> -> memref<1x10240x128xf32, #tpu.memory_space<hbm>>
      %dma_wait3A_45 = tpu.memref_squeeze %dma_wait3A_44 : memref<1x10240x128xf32, #tpu.memory_space<hbm>> -> memref<10240x128xf32, #tpu.memory_space<hbm>>
      %dma_wait3A_46 = arith.constant 0 : i32
      %dma_wait3A_47 = tpu.memref_slice %dma_wait3A_45[%mul3A_6, %dma_wait3A_46] : memref<10240x128xf32, #tpu.memory_space<hbm>> -> memref<640x128xf32, #tpu.memory_space<hbm>>
      %dma_wait3A_48 = arith.constant 0 : i32
      %dma_wait3A_49 = tpu.memref_slice %arg10[%mul3A_6, %dma_wait3A_48] : memref<10240x128xf32, #tpu.memory_space<vmem_shared>> -> memref<640x128xf32, #tpu.memory_space<vmem_shared>>
      tpu.wait_dma2 semaphore(%run_scoped3A : memref<!tpu.dma_semaphore, #tpu.memory_space<semaphore_mem>>) src(%dma_wait3A_49 : memref<640x128xf32, #tpu.memory_space<vmem_shared>>) dst(%dma_wait3A_47 : memref<640x128xf32, #tpu.memory_space<hbm>>)
      tpu.yield
    }) : () -> ()
    return
  }
}

#map = affine_map<(d0, d1) -> (0, 0, 0)>
#map1 = affine_map<(d0, d1) -> (0, 0)>
module attributes {stable_mosaic.version = 14 : i64} {
  func.func @k(%arg0: i32, %arg1: i32, %arg2: memref<16x160x128xi32, #tpu.memory_space<hbm>>, %arg3: memref<128x128xf32, #tpu.memory_space<hbm>>, %arg4: memref<160x128xi32, #tpu.memory_space<vmem>>, %arg5: memref<128x128xf32, #tpu.memory_space<vmem>>, %arg6: memref<1x128xi32, #tpu.memory_space<vmem>>, %arg7: memref<128x128xf32, #tpu.memory_space<vmem_shared>>) attributes {dimension_semantics = [#tpu.dimension_semantics<core_parallel>, #tpu.dimension_semantics<subcore_parallel>], iteration_bounds = array<i64: 2, 16>, scalar_prefetch = 0 : i64, scratch_operands = 4 : i64, tpu.core_type = #tpu.core_type<sc_vector_subcore>, window_params = [{transform_indices = #map}, {transform_indices = #map1}]} {
    %eq3A = arith.constant 0 : i32
    %eq3A_0 = arith.cmpi eq, %arg0, %eq3A : i32
    %convert_element_type3A = arith.extui %eq3A_0 : i1 to i32
    %cond3A = arith.constant 0 : i32
    %cond3A_1 = arith.cmpi ne, %convert_element_type3A, %cond3A : i32
    scf.if %cond3A_1 {
      %scan3A = arith.constant 0 : i32
      %scan3A_2 = arith.constant 0 : i32
      %scan3A_3 = arith.constant 128 : i32
      %scan3A_4 = arith.addi %scan3A_2, %scan3A_3 : i32
      %scan3A_5 = arith.constant 1 : i32
      %scan3A_6 = scf.for %scan3A_83 = %scan3A_2 to %scan3A_4 step %scan3A_5 iter_args(%scan3A_84 = %scan3A) -> (i32)  : i32 {
        %scan3A_85 = arith.constant 0 : i32
        %scan3A_86 = arith.constant 0 : i32
        %scan3A_87 = arith.constant 8 : i32
        %scan3A_88 = arith.addi %scan3A_86, %scan3A_87 : i32
        %scan3A_89 = arith.constant 1 : i32
        %scan3A_90 = scf.for %scan3A_92 = %scan3A_86 to %scan3A_88 step %scan3A_89 iter_args(%scan3A_93 = %scan3A_85) -> (i32)  : i32 {
          %broadcast_in_dim3A_94 = arith.constant 0.000000e+00 : f32
          %broadcast_in_dim3A_95 = vector.broadcast %broadcast_in_dim3A_94 : f32 to vector<16xf32>
          %mul3A_96 = arith.constant 16 : i32
          %mul3A_97 = arith.muli %scan3A_92, %mul3A_96 : i32
          %swap3A_98 = arith.index_cast %scan3A_83 : i32 to index
          %swap3A_99 = arith.index_cast %mul3A_97 : i32 to index
          %swap3A_100 = tpu.vector_load %arg5[%swap3A_98, %swap3A_99] {strides = array<i32>} : memref<128x128xf32, #tpu.memory_space<vmem>>, vector<16xf32>,
          tpu.vector_store %arg5[%swap3A_98, %swap3A_99], %broadcast_in_dim3A_95 {strides = array<i32>} : memref<128x128xf32, #tpu.memory_space<vmem>>, vector<16xf32>,
          %scan3A_101 = arith.constant 0 : i32
          scf.yield %scan3A_101 : i32
        }
        %scan3A_91 = arith.constant 8 : i32
        scf.yield %scan3A_90 : i32
      }
      %scan3A_7 = arith.constant 128 : i32
      %iota3A = tpu.iota {dimensions = array<i32: 0>} : vector<16xi32>
      %add3A = arith.constant 0 : i32
      %add3A_8 = vector.broadcast %add3A : i32 to vector<16xi32>
      %add3A_9 = arith.addi %iota3A, %add3A_8 : vector<16xi32>
      %swap3A = arith.constant 0 : i32
      %swap3A_10 = arith.index_cast %swap3A : i32 to index
      %swap3A_11 = arith.constant 0 : index
      %swap3A_12 = tpu.vector_load %arg6[%swap3A_10, %swap3A_11] {strides = array<i32>} : memref<1x128xi32, #tpu.memory_space<vmem>>, vector<16xi32>,
      tpu.vector_store %arg6[%swap3A_10, %swap3A_11], %add3A_9 {strides = array<i32>} : memref<1x128xi32, #tpu.memory_space<vmem>>, vector<16xi32>,
      %iota3A_13 = tpu.iota {dimensions = array<i32: 0>} : vector<16xi32>
      %add3A_14 = arith.constant 16 : i32
      %add3A_15 = vector.broadcast %add3A_14 : i32 to vector<16xi32>
      %add3A_16 = arith.addi %iota3A_13, %add3A_15 : vector<16xi32>
      %swap3A_17 = arith.constant 0 : i32
      %swap3A_18 = arith.index_cast %swap3A_17 : i32 to index
      %swap3A_19 = arith.constant 16 : index
      %swap3A_20 = tpu.vector_load %arg6[%swap3A_18, %swap3A_19] {strides = array<i32>} : memref<1x128xi32, #tpu.memory_space<vmem>>, vector<16xi32>,
      tpu.vector_store %arg6[%swap3A_18, %swap3A_19], %add3A_16 {strides = array<i32>} : memref<1x128xi32, #tpu.memory_space<vmem>>, vector<16xi32>,
      %iota3A_21 = tpu.iota {dimensions = array<i32: 0>} : vector<16xi32>
      %add3A_22 = arith.constant 32 : i32
      %add3A_23 = vector.broadcast %add3A_22 : i32 to vector<16xi32>
      %add3A_24 = arith.addi %iota3A_21, %add3A_23 : vector<16xi32>
      %swap3A_25 = arith.constant 0 : i32
      %swap3A_26 = arith.index_cast %swap3A_25 : i32 to index
      %swap3A_27 = arith.constant 32 : index
      %swap3A_28 = tpu.vector_load %arg6[%swap3A_26, %swap3A_27] {strides = array<i32>} : memref<1x128xi32, #tpu.memory_space<vmem>>, vector<16xi32>,
      tpu.vector_store %arg6[%swap3A_26, %swap3A_27], %add3A_24 {strides = array<i32>} : memref<1x128xi32, #tpu.memory_space<vmem>>, vector<16xi32>,
      %iota3A_29 = tpu.iota {dimensions = array<i32: 0>} : vector<16xi32>
      %add3A_30 = arith.constant 48 : i32
      %add3A_31 = vector.broadcast %add3A_30 : i32 to vector<16xi32>
      %add3A_32 = arith.addi %iota3A_29, %add3A_31 : vector<16xi32>
      %swap3A_33 = arith.constant 0 : i32
      %swap3A_34 = arith.index_cast %swap3A_33 : i32 to index
      %swap3A_35 = arith.constant 48 : index
      %swap3A_36 = tpu.vector_load %arg6[%swap3A_34, %swap3A_35] {strides = array<i32>} : memref<1x128xi32, #tpu.memory_space<vmem>>, vector<16xi32>,
      tpu.vector_store %arg6[%swap3A_34, %swap3A_35], %add3A_32 {strides = array<i32>} : memref<1x128xi32, #tpu.memory_space<vmem>>, vector<16xi32>,
      %iota3A_37 = tpu.iota {dimensions = array<i32: 0>} : vector<16xi32>
      %add3A_38 = arith.constant 64 : i32
      %add3A_39 = vector.broadcast %add3A_38 : i32 to vector<16xi32>
      %add3A_40 = arith.addi %iota3A_37, %add3A_39 : vector<16xi32>
      %swap3A_41 = arith.constant 0 : i32
      %swap3A_42 = arith.index_cast %swap3A_41 : i32 to index
      %swap3A_43 = arith.constant 64 : index
      %swap3A_44 = tpu.vector_load %arg6[%swap3A_42, %swap3A_43] {strides = array<i32>} : memref<1x128xi32, #tpu.memory_space<vmem>>, vector<16xi32>,
      tpu.vector_store %arg6[%swap3A_42, %swap3A_43], %add3A_40 {strides = array<i32>} : memref<1x128xi32, #tpu.memory_space<vmem>>, vector<16xi32>,
      %iota3A_45 = tpu.iota {dimensions = array<i32: 0>} : vector<16xi32>
      %add3A_46 = arith.constant 80 : i32
      %add3A_47 = vector.broadcast %add3A_46 : i32 to vector<16xi32>
      %add3A_48 = arith.addi %iota3A_45, %add3A_47 : vector<16xi32>
      %swap3A_49 = arith.constant 0 : i32
      %swap3A_50 = arith.index_cast %swap3A_49 : i32 to index
      %swap3A_51 = arith.constant 80 : index
      %swap3A_52 = tpu.vector_load %arg6[%swap3A_50, %swap3A_51] {strides = array<i32>} : memref<1x128xi32, #tpu.memory_space<vmem>>, vector<16xi32>,
      tpu.vector_store %arg6[%swap3A_50, %swap3A_51], %add3A_48 {strides = array<i32>} : memref<1x128xi32, #tpu.memory_space<vmem>>, vector<16xi32>,
      %iota3A_53 = tpu.iota {dimensions = array<i32: 0>} : vector<16xi32>
      %add3A_54 = arith.constant 96 : i32
      %add3A_55 = vector.broadcast %add3A_54 : i32 to vector<16xi32>
      %add3A_56 = arith.addi %iota3A_53, %add3A_55 : vector<16xi32>
      %swap3A_57 = arith.constant 0 : i32
      %swap3A_58 = arith.index_cast %swap3A_57 : i32 to index
      %swap3A_59 = arith.constant 96 : index
      %swap3A_60 = tpu.vector_load %arg6[%swap3A_58, %swap3A_59] {strides = array<i32>} : memref<1x128xi32, #tpu.memory_space<vmem>>, vector<16xi32>,
      tpu.vector_store %arg6[%swap3A_58, %swap3A_59], %add3A_56 {strides = array<i32>} : memref<1x128xi32, #tpu.memory_space<vmem>>, vector<16xi32>,
      %iota3A_61 = tpu.iota {dimensions = array<i32: 0>} : vector<16xi32>
      %add3A_62 = arith.constant 112 : i32
      %add3A_63 = vector.broadcast %add3A_62 : i32 to vector<16xi32>
      %add3A_64 = arith.addi %iota3A_61, %add3A_63 : vector<16xi32>
      %swap3A_65 = arith.constant 0 : i32
      %swap3A_66 = arith.index_cast %swap3A_65 : i32 to index
      %swap3A_67 = arith.constant 112 : index
      %swap3A_68 = tpu.vector_load %arg6[%swap3A_66, %swap3A_67] {strides = array<i32>} : memref<1x128xi32, #tpu.memory_space<vmem>>, vector<16xi32>,
      tpu.vector_store %arg6[%swap3A_66, %swap3A_67], %add3A_64 {strides = array<i32>} : memref<1x128xi32, #tpu.memory_space<vmem>>, vector<16xi32>,
      %mul3A = arith.constant 8 : i32
      %mul3A_69 = arith.muli %arg1, %mul3A : i32
      %mul3A_70 = arith.constant 8 : i32
      %mul3A_71 = arith.muli %arg1, %mul3A_70 : i32
      "tpu.region"() ({
        %run_scoped3A_83 = tpu.sem_alloc : memref<!tpu.dma_semaphore, #tpu.memory_space<semaphore_mem>>
        %dma_start3A = arith.constant 0 : i32
        %dma_start3A_84 = tpu.memref_slice %arg5[%mul3A_69, %dma_start3A] : memref<128x128xf32, #tpu.memory_space<vmem>> -> memref<8x128xf32, #tpu.memory_space<vmem>>
        %dma_start3A_85 = arith.constant 0 : i32
        %dma_start3A_86 = tpu.memref_slice %arg7[%mul3A_71, %dma_start3A_85] : memref<128x128xf32, #tpu.memory_space<vmem_shared>> -> memref<8x128xf32, #tpu.memory_space<vmem_shared>>
        %dma_start3A_87 = arith.constant 0 : i32
        %dma_start3A_88 = tpu.memref_slice %arg7[%mul3A_71, %dma_start3A_87] : memref<128x128xf32, #tpu.memory_space<vmem_shared>> -> memref<8x128xf32, #tpu.memory_space<vmem_shared>>
        %dma_start3A_89 = arith.constant 0 : i32
        %dma_start3A_90 = tpu.memref_slice %arg5[%mul3A_69, %dma_start3A_89] : memref<128x128xf32, #tpu.memory_space<vmem>> -> memref<8x128xf32, #tpu.memory_space<vmem>>
        tpu.enqueue_dma source(%dma_start3A_90 : memref<8x128xf32, #tpu.memory_space<vmem>>) target(%dma_start3A_88 : memref<8x128xf32, #tpu.memory_space<vmem_shared>>) target_semaphore(%run_scoped3A_83 : memref<!tpu.dma_semaphore, #tpu.memory_space<semaphore_mem>>)
        %dma_wait3A = arith.constant 0 : i32
        %dma_wait3A_91 = tpu.memref_slice %arg5[%mul3A_69, %dma_wait3A] : memref<128x128xf32, #tpu.memory_space<vmem>> -> memref<8x128xf32, #tpu.memory_space<vmem>>
        %dma_wait3A_92 = arith.constant 0 : i32
        %dma_wait3A_93 = tpu.memref_slice %arg7[%mul3A_71, %dma_wait3A_92] : memref<128x128xf32, #tpu.memory_space<vmem_shared>> -> memref<8x128xf32, #tpu.memory_space<vmem_shared>>
        %dma_wait3A_94 = arith.constant 0 : i32
        %dma_wait3A_95 = tpu.memref_slice %arg7[%mul3A_71, %dma_wait3A_94] : memref<128x128xf32, #tpu.memory_space<vmem_shared>> -> memref<8x128xf32, #tpu.memory_space<vmem_shared>>
        %dma_wait3A_96 = arith.constant 0 : i32
        %dma_wait3A_97 = tpu.memref_slice %arg5[%mul3A_69, %dma_wait3A_96] : memref<128x128xf32, #tpu.memory_space<vmem>> -> memref<8x128xf32, #tpu.memory_space<vmem>>
        tpu.wait_dma2 semaphore(%run_scoped3A_83 : memref<!tpu.dma_semaphore, #tpu.memory_space<semaphore_mem>>) src(%dma_wait3A_97 : memref<8x128xf32, #tpu.memory_space<vmem>>) dst(%dma_wait3A_95 : memref<8x128xf32, #tpu.memory_space<vmem_shared>>)
        tpu.yield
      }) : () -> ()
      %barrier3A = arith.constant 0 : index
      tpu.barrier barrier_id(%barrier3A)
      "tpu.region"() ({
        %run_scoped3A_83 = tpu.sem_alloc : memref<!tpu.dma_semaphore, #tpu.memory_space<semaphore_mem>>
        %dma_start3A = arith.constant 0 : i32
        %dma_start3A_84 = arith.constant 0 : i32
        %dma_start3A_85 = tpu.memref_slice %arg2[%arg1, %dma_start3A, %dma_start3A_84] : memref<16x160x128xi32, #tpu.memory_space<hbm>> -> memref<1x160x128xi32, #tpu.memory_space<hbm>>
        %dma_start3A_86 = tpu.memref_squeeze %dma_start3A_85 : memref<1x160x128xi32, #tpu.memory_space<hbm>> -> memref<160x128xi32, #tpu.memory_space<hbm>>
        %dma_start3A_87 = arith.constant 0 : i32
        %dma_start3A_88 = arith.constant 0 : i32
        %dma_start3A_89 = tpu.memref_slice %arg2[%arg1, %dma_start3A_87, %dma_start3A_88] : memref<16x160x128xi32, #tpu.memory_space<hbm>> -> memref<1x160x128xi32, #tpu.memory_space<hbm>>
        %dma_start3A_90 = tpu.memref_squeeze %dma_start3A_89 : memref<1x160x128xi32, #tpu.memory_space<hbm>> -> memref<160x128xi32, #tpu.memory_space<hbm>>
        tpu.enqueue_dma source(%dma_start3A_90 : memref<160x128xi32, #tpu.memory_space<hbm>>) target(%arg4 : memref<160x128xi32, #tpu.memory_space<vmem>>) target_semaphore(%run_scoped3A_83 : memref<!tpu.dma_semaphore, #tpu.memory_space<semaphore_mem>>)
        %dma_wait3A = arith.constant 0 : i32
        %dma_wait3A_91 = arith.constant 0 : i32
        %dma_wait3A_92 = tpu.memref_slice %arg2[%arg1, %dma_wait3A, %dma_wait3A_91] : memref<16x160x128xi32, #tpu.memory_space<hbm>> -> memref<1x160x128xi32, #tpu.memory_space<hbm>>
        %dma_wait3A_93 = tpu.memref_squeeze %dma_wait3A_92 : memref<1x160x128xi32, #tpu.memory_space<hbm>> -> memref<160x128xi32, #tpu.memory_space<hbm>>
        %dma_wait3A_94 = arith.constant 0 : i32
        %dma_wait3A_95 = arith.constant 0 : i32
        %dma_wait3A_96 = tpu.memref_slice %arg2[%arg1, %dma_wait3A_94, %dma_wait3A_95] : memref<16x160x128xi32, #tpu.memory_space<hbm>> -> memref<1x160x128xi32, #tpu.memory_space<hbm>>
        %dma_wait3A_97 = tpu.memref_squeeze %dma_wait3A_96 : memref<1x160x128xi32, #tpu.memory_space<hbm>> -> memref<160x128xi32, #tpu.memory_space<hbm>>
        tpu.wait_dma2 semaphore(%run_scoped3A_83 : memref<!tpu.dma_semaphore, #tpu.memory_space<semaphore_mem>>) src(%dma_wait3A_97 : memref<160x128xi32, #tpu.memory_space<hbm>>) dst(%arg4 : memref<160x128xi32, #tpu.memory_space<vmem>>)
        tpu.yield
      }) : () -> ()
      %broadcast_in_dim3A = arith.constant 1.000000e+00 : f32
      %broadcast_in_dim3A_72 = vector.broadcast %broadcast_in_dim3A : f32 to vector<16xf32>
      %scan3A_73 = arith.constant 0 : i32
      %scan3A_74 = arith.constant 0 : i32
      %scan3A_75 = arith.constant 160 : i32
      %scan3A_76 = arith.addi %scan3A_74, %scan3A_75 : i32
      %scan3A_77 = arith.constant 1 : i32
      %scan3A_78 = scf.for %scan3A_83 = %scan3A_74 to %scan3A_76 step %scan3A_77 iter_args(%scan3A_84 = %scan3A_73) -> (i32)  : i32 {
        %scan3A_85 = arith.constant 0 : i32
        %scan3A_86 = arith.constant 0 : i32
        %scan3A_87 = arith.constant 8 : i32
        %scan3A_88 = arith.addi %scan3A_86, %scan3A_87 : i32
        %scan3A_89 = arith.constant 1 : i32
        %scan3A_90 = scf.for %scan3A_92 = %scan3A_86 to %scan3A_88 step %scan3A_89 iter_args(%scan3A_93 = %scan3A_85) -> (i32)  : i32 {
          %mul3A_94 = arith.constant 16 : i32
          %mul3A_95 = arith.muli %scan3A_92, %mul3A_94 : i32
          %get3A = arith.index_cast %scan3A_83 : i32 to index
          %get3A_96 = arith.index_cast %mul3A_95 : i32 to index
          %get3A_97 = tpu.vector_load %arg4[%get3A, %get3A_96] {strides = array<i32>} : memref<160x128xi32, #tpu.memory_space<vmem>>, vector<16xi32>,
          %shift_right_arithmetic3A = arith.constant 7 : i32
          %shift_right_arithmetic3A_98 = vector.broadcast %shift_right_arithmetic3A : i32 to vector<16xi32>
          %shift_right_arithmetic3A_99 = arith.shrsi %get3A_97, %shift_right_arithmetic3A_98 : vector<16xi32>
          %and3A = arith.constant 127 : i32
          %and3A_100 = vector.broadcast %and3A : i32 to vector<16xi32>
          %and3A_101 = arith.andi %get3A_97, %and3A_100 : vector<16xi32>
          tpu.vector_store_idx %arg5[%shift_right_arithmetic3A_99, %and3A_101], %broadcast_in_dim3A_72 {add = true} : memref<128x128xf32, #tpu.memory_space<vmem>>[vector<16xi32>, vector<16xi32>], vector<16xf32>,
          %scan3A_102 = arith.constant 0 : i32
          scf.yield %scan3A_102 : i32
        }
        %scan3A_91 = arith.constant 8 : i32
        scf.yield %scan3A_90 : i32
      }
      %scan3A_79 = arith.constant 160 : i32
      %run_scoped3A = arith.constant 0 : i32
      "tpu.region"() ({
        %run_scoped3A_83 = tpu.sem_alloc : memref<!tpu.dma_semaphore, #tpu.memory_space<semaphore_mem>>
        %dma_start3A = arith.constant 0 : i32
        %dma_start3A_84 = tpu.memref_slice %arg6[%run_scoped3A, %dma_start3A] : memref<1x128xi32, #tpu.memory_space<vmem>> -> memref<1x128xi32, #tpu.memory_space<vmem>>
        %dma_start3A_85 = tpu.memref_squeeze %dma_start3A_84 : memref<1x128xi32, #tpu.memory_space<vmem>> -> memref<128xi32, #tpu.memory_space<vmem>>
        %dma_start3A_86 = arith.constant 0 : i32
        %dma_start3A_87 = arith.constant 0 : i32
        %dma_start3A_88 = tpu.memref_slice %arg7[%dma_start3A_86, %dma_start3A_87] : memref<128x128xf32, #tpu.memory_space<vmem_shared>> -> memref<128x128xf32, #tpu.memory_space<vmem_shared>>
        tpu.enqueue_indirect_dma source(%arg5 : memref<128x128xf32, #tpu.memory_space<vmem>>) target(%dma_start3A_88 : memref<128x128xf32, #tpu.memory_space<vmem_shared>>) offsets(%dma_start3A_85 : memref<128xi32, #tpu.memory_space<vmem>>) semaphore(%run_scoped3A_83 : memref<!tpu.dma_semaphore, #tpu.memory_space<semaphore_mem>>) {add = true}
        %dma_wait3A = arith.constant 0 : i32
        %dma_wait3A_89 = tpu.memref_slice %arg6[%run_scoped3A, %dma_wait3A] : memref<1x128xi32, #tpu.memory_space<vmem>> -> memref<1x128xi32, #tpu.memory_space<vmem>>
        %dma_wait3A_90 = tpu.memref_squeeze %dma_wait3A_89 : memref<1x128xi32, #tpu.memory_space<vmem>> -> memref<128xi32, #tpu.memory_space<vmem>>
        %dma_wait3A_91 = arith.constant 0 : i32
        %dma_wait3A_92 = arith.constant 0 : i32
        %dma_wait3A_93 = tpu.memref_slice %arg7[%dma_wait3A_91, %dma_wait3A_92] : memref<128x128xf32, #tpu.memory_space<vmem_shared>> -> memref<128x128xf32, #tpu.memory_space<vmem_shared>>
        tpu.wait_indirect_dma semaphore(%run_scoped3A_83 : memref<!tpu.dma_semaphore, #tpu.memory_space<semaphore_mem>>) src(%arg5 : memref<128x128xf32, #tpu.memory_space<vmem>>) dst(%dma_wait3A_93 : memref<128x128xf32, #tpu.memory_space<vmem_shared>>)
        tpu.yield
      }) : () -> ()
      %barrier3A_80 = arith.constant 0 : index
      tpu.barrier barrier_id(%barrier3A_80)
      %mul3A_81 = arith.constant 8 : i32
      %mul3A_82 = arith.muli %arg1, %mul3A_81 : i32
      "tpu.region"() ({
        %run_scoped3A_83 = tpu.sem_alloc : memref<!tpu.dma_semaphore, #tpu.memory_space<semaphore_mem>>
        %dma_start3A = arith.constant 0 : i32
        %dma_start3A_84 = tpu.memref_slice %arg3[%mul3A_82, %dma_start3A] : memref<128x128xf32, #tpu.memory_space<hbm>> -> memref<8x128xf32, #tpu.memory_space<hbm>>
        %dma_start3A_85 = arith.constant 0 : i32
        %dma_start3A_86 = tpu.memref_slice %arg7[%mul3A_82, %dma_start3A_85] : memref<128x128xf32, #tpu.memory_space<vmem_shared>> -> memref<8x128xf32, #tpu.memory_space<vmem_shared>>
        tpu.enqueue_dma source(%dma_start3A_86 : memref<8x128xf32, #tpu.memory_space<vmem_shared>>) target(%dma_start3A_84 : memref<8x128xf32, #tpu.memory_space<hbm>>) target_semaphore(%run_scoped3A_83 : memref<!tpu.dma_semaphore, #tpu.memory_space<semaphore_mem>>)
        %dma_wait3A = arith.constant 0 : i32
        %dma_wait3A_87 = tpu.memref_slice %arg3[%mul3A_82, %dma_wait3A] : memref<128x128xf32, #tpu.memory_space<hbm>> -> memref<8x128xf32, #tpu.memory_space<hbm>>
        %dma_wait3A_88 = arith.constant 0 : i32
        %dma_wait3A_89 = tpu.memref_slice %arg7[%mul3A_82, %dma_wait3A_88] : memref<128x128xf32, #tpu.memory_space<vmem_shared>> -> memref<8x128xf32, #tpu.memory_space<vmem_shared>>
        tpu.wait_dma2 semaphore(%run_scoped3A_83 : memref<!tpu.dma_semaphore, #tpu.memory_space<semaphore_mem>>) src(%dma_wait3A_89 : memref<8x128xf32, #tpu.memory_space<vmem_shared>>) dst(%dma_wait3A_87 : memref<8x128xf32, #tpu.memory_space<hbm>>)
        tpu.yield
      }) : () -> ()
    } else {
    }
    return
  }
}

#map = affine_map<(d0, d1) -> (0, 0)>
#map1 = affine_map<(d0, d1) -> (0, 0, 0)>
module attributes {stable_mosaic.version = 14 : i64} {
  func.func @k(%arg0: i32, %arg1: i32, %arg2: memref<10240x128xf32, #tpu.memory_space<hbm>>, %arg3: memref<2560x128xi32, #tpu.memory_space<hbm>>, %arg4: memref<2560x128xi32, #tpu.memory_space<hbm>>, %arg5: memref<2x10240x128xf32, #tpu.memory_space<hbm>>, %arg6: memref<120x128xi32, #tpu.memory_space<vmem>>, %arg7: memref<120x128xi32, #tpu.memory_space<vmem>>, %arg8: memref<128x128xf32, #tpu.memory_space<vmem>>, %arg9: memref<8x128xf32, #tpu.memory_space<vmem>>, %arg10: memref<10240x128xf32, #tpu.memory_space<vmem_shared>>, %arg11: memref<!tpu.dma_semaphore, #tpu.memory_space<semaphore_mem>>) attributes {dimension_semantics = [#tpu.dimension_semantics<core_parallel>, #tpu.dimension_semantics<subcore_parallel>], iteration_bounds = array<i64: 2, 16>, scalar_prefetch = 0 : i64, scratch_operands = 6 : i64, tpu.core_type = #tpu.core_type<sc_vector_subcore>, window_params = [{transform_indices = #map}, {transform_indices = #map}, {transform_indices = #map}, {transform_indices = #map1}]} {
    %scan3A = arith.constant 0 : i32
    %scan3A_0 = arith.constant 0 : i32
    %scan3A_1 = arith.constant 8 : i32
    %scan3A_2 = arith.addi %scan3A_0, %scan3A_1 : i32
    %scan3A_3 = arith.constant 1 : i32
    %scan3A_4 = scf.for %scan3A_36 = %scan3A_0 to %scan3A_2 step %scan3A_3 iter_args(%scan3A_37 = %scan3A) -> (i32)  : i32 {
      %scan3A_38 = arith.constant 0 : i32
      %scan3A_39 = arith.constant 0 : i32
      %scan3A_40 = arith.constant 8 : i32
      %scan3A_41 = arith.addi %scan3A_39, %scan3A_40 : i32
      %scan3A_42 = arith.constant 1 : i32
      %scan3A_43 = scf.for %scan3A_45 = %scan3A_39 to %scan3A_41 step %scan3A_42 iter_args(%scan3A_46 = %scan3A_38) -> (i32)  : i32 {
        %broadcast_in_dim3A = arith.constant 0.000000e+00 : f32
        %broadcast_in_dim3A_47 = vector.broadcast %broadcast_in_dim3A : f32 to vector<16xf32>
        %mul3A_48 = arith.constant 16 : i32
        %mul3A_49 = arith.muli %scan3A_45, %mul3A_48 : i32
        %swap3A = arith.index_cast %scan3A_36 : i32 to index
        %swap3A_50 = arith.index_cast %mul3A_49 : i32 to index
        %swap3A_51 = tpu.vector_load %arg9[%swap3A, %swap3A_50] {strides = array<i32>} : memref<8x128xf32, #tpu.memory_space<vmem>>, vector<1x16xf32>,
        %swap3A_52 = vector.shape_cast %swap3A_51 : vector<1x16xf32> to vector<16xf32>
        %swap3A_53 = vector.shape_cast %broadcast_in_dim3A_47 : vector<16xf32> to vector<1x16xf32>
        tpu.vector_store %arg9[%swap3A, %swap3A_50], %swap3A_53 {strides = array<i32>} : memref<8x128xf32, #tpu.memory_space<vmem>>, vector<1x16xf32>,
        %scan3A_54 = arith.constant 0 : i32
        scf.yield %scan3A_54 : i32
      }
      %scan3A_44 = arith.constant 8 : i32
      scf.yield %scan3A_43 : i32
    }
    %scan3A_5 = arith.constant 8 : i32
    %mul3A = arith.constant 640 : i32
    %mul3A_6 = arith.muli %arg1, %mul3A : i32
    %scan3A_7 = arith.constant 0 : i32
    %scan3A_8 = arith.constant 0 : i32
    %scan3A_9 = arith.constant 80 : i32
    %scan3A_10 = arith.addi %scan3A_8, %scan3A_9 : i32
    %scan3A_11 = arith.constant 1 : i32
    %scan3A_12 = scf.for %scan3A_36 = %scan3A_8 to %scan3A_10 step %scan3A_11 iter_args(%scan3A_37 = %scan3A_7) -> (i32)  : i32 {
      %mul3A_38 = arith.constant 8 : i32
      %mul3A_39 = arith.muli %scan3A_36, %mul3A_38 : i32
      %add3A_40 = arith.addi %mul3A_6, %mul3A_39 : i32
      "tpu.region"() ({
        %run_scoped3A = tpu.sem_alloc : memref<!tpu.dma_semaphore, #tpu.memory_space<semaphore_mem>>
        %dma_start3A = arith.constant 0 : i32
        %dma_start3A_42 = tpu.memref_slice %arg10[%add3A_40, %dma_start3A] : memref<10240x128xf32, #tpu.memory_space<vmem_shared>> -> memref<8x128xf32, #tpu.memory_space<vmem_shared>>
        %dma_start3A_43 = arith.constant 0 : i32
        %dma_start3A_44 = tpu.memref_slice %arg10[%add3A_40, %dma_start3A_43] : memref<10240x128xf32, #tpu.memory_space<vmem_shared>> -> memref<8x128xf32, #tpu.memory_space<vmem_shared>>
        tpu.enqueue_dma source(%arg9 : memref<8x128xf32, #tpu.memory_space<vmem>>) target(%dma_start3A_44 : memref<8x128xf32, #tpu.memory_space<vmem_shared>>) target_semaphore(%run_scoped3A : memref<!tpu.dma_semaphore, #tpu.memory_space<semaphore_mem>>)
        %dma_wait3A = arith.constant 0 : i32
        %dma_wait3A_45 = tpu.memref_slice %arg10[%add3A_40, %dma_wait3A] : memref<10240x128xf32, #tpu.memory_space<vmem_shared>> -> memref<8x128xf32, #tpu.memory_space<vmem_shared>>
        %dma_wait3A_46 = arith.constant 0 : i32
        %dma_wait3A_47 = tpu.memref_slice %arg10[%add3A_40, %dma_wait3A_46] : memref<10240x128xf32, #tpu.memory_space<vmem_shared>> -> memref<8x128xf32, #tpu.memory_space<vmem_shared>>
        tpu.wait_dma2 semaphore(%run_scoped3A : memref<!tpu.dma_semaphore, #tpu.memory_space<semaphore_mem>>) src(%arg9 : memref<8x128xf32, #tpu.memory_space<vmem>>) dst(%dma_wait3A_47 : memref<8x128xf32, #tpu.memory_space<vmem_shared>>)
        tpu.yield
      }) : () -> ()
      %scan3A_41 = arith.constant 0 : i32
      scf.yield %scan3A_41 : i32
    }
    %scan3A_13 = arith.constant 80 : i32
    %barrier3A = arith.constant 0 : index
    tpu.barrier barrier_id(%barrier3A)
    %eq3A = arith.constant 0 : i32
    %eq3A_14 = arith.cmpi eq, %arg0, %eq3A : i32
    %mul3A_15 = arith.constant 120 : i32
    %mul3A_16 = arith.muli %arg1, %mul3A_15 : i32
    %mul3A_17 = arith.constant 40 : i32
    %mul3A_18 = arith.muli %arg1, %mul3A_17 : i32
    %add3A = arith.constant 1920 : i32
    %add3A_19 = arith.addi %add3A, %mul3A_18 : i32
    %select_n3A = arith.select %eq3A_14, %mul3A_16, %add3A_19 : i32
    %eq3A_20 = arith.constant 0 : i32
    %eq3A_21 = arith.cmpi eq, %arg0, %eq3A_20 : i32
    %jit3A = arith.constant 120 : i32
    %jit3A_22 = arith.constant 40 : i32
    %select_n3A_23 = arith.select %eq3A_21, %jit3A, %jit3A_22 : i32
    "tpu.region"() ({
      %run_scoped3A = tpu.sem_alloc : memref<!tpu.dma_semaphore, #tpu.memory_space<semaphore_mem>>
      %dma_start3A = arith.constant 0 : i32
      %dma_start3A_36 = tpu.memref_slice %arg3[%select_n3A, %dma_start3A] : memref<2560x128xi32, #tpu.memory_space<hbm>> -> memref<120x128xi32, #tpu.memory_space<hbm>>
      %dma_start3A_37 = arith.constant 0 : i32
      %dma_start3A_38 = tpu.memref_slice %arg3[%select_n3A, %dma_start3A_37] : memref<2560x128xi32, #tpu.memory_space<hbm>> -> memref<120x128xi32, #tpu.memory_space<hbm>>
      tpu.enqueue_dma source(%dma_start3A_38 : memref<120x128xi32, #tpu.memory_space<hbm>>) target(%arg6 : memref<120x128xi32, #tpu.memory_space<vmem>>) target_semaphore(%run_scoped3A : memref<!tpu.dma_semaphore, #tpu.memory_space<semaphore_mem>>)
      %dma_wait3A = arith.constant 0 : i32
      %dma_wait3A_39 = tpu.memref_slice %arg3[%select_n3A, %dma_wait3A] : memref<2560x128xi32, #tpu.memory_space<hbm>> -> memref<120x128xi32, #tpu.memory_space<hbm>>
      %dma_wait3A_40 = arith.constant 0 : i32
      %dma_wait3A_41 = tpu.memref_slice %arg3[%select_n3A, %dma_wait3A_40] : memref<2560x128xi32, #tpu.memory_space<hbm>> -> memref<120x128xi32, #tpu.memory_space<hbm>>
      tpu.wait_dma2 semaphore(%run_scoped3A : memref<!tpu.dma_semaphore, #tpu.memory_space<semaphore_mem>>) src(%dma_wait3A_41 : memref<120x128xi32, #tpu.memory_space<hbm>>) dst(%arg6 : memref<120x128xi32, #tpu.memory_space<vmem>>)
      tpu.yield
    }) : () -> ()
    "tpu.region"() ({
      %run_scoped3A = tpu.sem_alloc : memref<!tpu.dma_semaphore, #tpu.memory_space<semaphore_mem>>
      %dma_start3A = arith.constant 0 : i32
      %dma_start3A_36 = tpu.memref_slice %arg4[%select_n3A, %dma_start3A] : memref<2560x128xi32, #tpu.memory_space<hbm>> -> memref<120x128xi32, #tpu.memory_space<hbm>>
      %dma_start3A_37 = arith.constant 0 : i32
      %dma_start3A_38 = tpu.memref_slice %arg4[%select_n3A, %dma_start3A_37] : memref<2560x128xi32, #tpu.memory_space<hbm>> -> memref<120x128xi32, #tpu.memory_space<hbm>>
      tpu.enqueue_dma source(%dma_start3A_38 : memref<120x128xi32, #tpu.memory_space<hbm>>) target(%arg7 : memref<120x128xi32, #tpu.memory_space<vmem>>) target_semaphore(%run_scoped3A : memref<!tpu.dma_semaphore, #tpu.memory_space<semaphore_mem>>)
      %dma_wait3A = arith.constant 0 : i32
      %dma_wait3A_39 = tpu.memref_slice %arg4[%select_n3A, %dma_wait3A] : memref<2560x128xi32, #tpu.memory_space<hbm>> -> memref<120x128xi32, #tpu.memory_space<hbm>>
      %dma_wait3A_40 = arith.constant 0 : i32
      %dma_wait3A_41 = tpu.memref_slice %arg4[%select_n3A, %dma_wait3A_40] : memref<2560x128xi32, #tpu.memory_space<hbm>> -> memref<120x128xi32, #tpu.memory_space<hbm>>
      tpu.wait_dma2 semaphore(%run_scoped3A : memref<!tpu.dma_semaphore, #tpu.memory_space<semaphore_mem>>) src(%dma_wait3A_41 : memref<120x128xi32, #tpu.memory_space<hbm>>) dst(%arg7 : memref<120x128xi32, #tpu.memory_space<vmem>>)
      tpu.yield
    }) : () -> ()
    %while3A = arith.constant 0 : i32
    %while3A_24 = arith.constant 0 : i32
    %while3A_25 = arith.subi %select_n3A_23, %while3A : i32
    %while3A_26 = arith.addi %while3A, %while3A_25 : i32
    %while3A_27 = arith.constant 1 : i32
    %while3A_28 = arith.divsi %while3A_25, %while3A_27 : i32
    %while3A_29 = arith.muli %while3A_28, %while3A_27 : i32
    %while3A_30 = arith.addi %while3A, %while3A_29 : i32
    %while3A_31 = arith.constant 1 : i32
    %while3A_32 = scf.for %while3A_36 = %while3A to %while3A_30 step %while3A_31 iter_args(%while3A_37 = %while3A_24) -> (i32)  : i32 {
      %dma_start3A = arith.constant 0 : i32
      %dma_start3A_38 = tpu.memref_slice %arg6[%while3A_36, %dma_start3A] : memref<120x128xi32, #tpu.memory_space<vmem>> -> memref<1x128xi32, #tpu.memory_space<vmem>>
      %dma_start3A_39 = tpu.memref_squeeze %dma_start3A_38 : memref<1x128xi32, #tpu.memory_space<vmem>> -> memref<128xi32, #tpu.memory_space<vmem>>
      %dma_start3A_40 = arith.constant 0 : i32
      %dma_start3A_41 = arith.constant 0 : i32
      %dma_start3A_42 = tpu.memref_slice %arg2[%dma_start3A_40, %dma_start3A_41] : memref<10240x128xf32, #tpu.memory_space<hbm>> -> memref<10240x128xf32, #tpu.memory_space<hbm>>
      tpu.enqueue_indirect_dma source(%dma_start3A_42 : memref<10240x128xf32, #tpu.memory_space<hbm>>) target(%arg8 : memref<128x128xf32, #tpu.memory_space<vmem>>) offsets(%dma_start3A_39 : memref<128xi32, #tpu.memory_space<vmem>>) semaphore(%arg11 : memref<!tpu.dma_semaphore, #tpu.memory_space<semaphore_mem>>)
      %dma_wait3A = arith.constant 0 : i32
      %dma_wait3A_43 = tpu.memref_slice %arg6[%while3A_36, %dma_wait3A] : memref<120x128xi32, #tpu.memory_space<vmem>> -> memref<1x128xi32, #tpu.memory_space<vmem>>
      %dma_wait3A_44 = tpu.memref_squeeze %dma_wait3A_43 : memref<1x128xi32, #tpu.memory_space<vmem>> -> memref<128xi32, #tpu.memory_space<vmem>>
      %dma_wait3A_45 = arith.constant 0 : i32
      %dma_wait3A_46 = arith.constant 0 : i32
      %dma_wait3A_47 = tpu.memref_slice %arg2[%dma_wait3A_45, %dma_wait3A_46] : memref<10240x128xf32, #tpu.memory_space<hbm>> -> memref<10240x128xf32, #tpu.memory_space<hbm>>
      tpu.wait_indirect_dma semaphore(%arg11 : memref<!tpu.dma_semaphore, #tpu.memory_space<semaphore_mem>>) src(%dma_wait3A_47 : memref<10240x128xf32, #tpu.memory_space<hbm>>) dst(%arg8 : memref<128x128xf32, #tpu.memory_space<vmem>>)
      "tpu.region"() ({
        %run_scoped3A = tpu.sem_alloc : memref<!tpu.dma_semaphore, #tpu.memory_space<semaphore_mem>>
        %dma_start3A_49 = arith.constant 0 : i32
        %dma_start3A_50 = tpu.memref_slice %arg7[%while3A_36, %dma_start3A_49] : memref<120x128xi32, #tpu.memory_space<vmem>> -> memref<1x128xi32, #tpu.memory_space<vmem>>
        %dma_start3A_51 = tpu.memref_squeeze %dma_start3A_50 : memref<1x128xi32, #tpu.memory_space<vmem>> -> memref<128xi32, #tpu.memory_space<vmem>>
        %dma_start3A_52 = arith.constant 0 : i32
        %dma_start3A_53 = arith.constant 0 : i32
        %dma_start3A_54 = tpu.memref_slice %arg10[%dma_start3A_52, %dma_start3A_53] : memref<10240x128xf32, #tpu.memory_space<vmem_shared>> -> memref<10240x128xf32, #tpu.memory_space<vmem_shared>>
        tpu.enqueue_indirect_dma source(%arg8 : memref<128x128xf32, #tpu.memory_space<vmem>>) target(%dma_start3A_54 : memref<10240x128xf32, #tpu.memory_space<vmem_shared>>) offsets(%dma_start3A_51 : memref<128xi32, #tpu.memory_space<vmem>>) semaphore(%run_scoped3A : memref<!tpu.dma_semaphore, #tpu.memory_space<semaphore_mem>>) {add = true}
        %dma_wait3A_55 = arith.constant 0 : i32
        %dma_wait3A_56 = tpu.memref_slice %arg7[%while3A_36, %dma_wait3A_55] : memref<120x128xi32, #tpu.memory_space<vmem>> -> memref<1x128xi32, #tpu.memory_space<vmem>>
        %dma_wait3A_57 = tpu.memref_squeeze %dma_wait3A_56 : memref<1x128xi32, #tpu.memory_space<vmem>> -> memref<128xi32, #tpu.memory_space<vmem>>
        %dma_wait3A_58 = arith.constant 0 : i32
        %dma_wait3A_59 = arith.constant 0 : i32
        %dma_wait3A_60 = tpu.memref_slice %arg10[%dma_wait3A_58, %dma_wait3A_59] : memref<10240x128xf32, #tpu.memory_space<vmem_shared>> -> memref<10240x128xf32, #tpu.memory_space<vmem_shared>>
        tpu.wait_indirect_dma semaphore(%run_scoped3A : memref<!tpu.dma_semaphore, #tpu.memory_space<semaphore_mem>>) src(%arg8 : memref<128x128xf32, #tpu.memory_space<vmem>>) dst(%dma_wait3A_60 : memref<10240x128xf32, #tpu.memory_space<vmem_shared>>)
        tpu.yield
      }) : () -> ()
      %while3A_48 = arith.constant 0 : i32
      scf.yield %while3A_48 : i32
    }
    %while3A_33 = arith.constant 1 : i32
    %while3A_34 = scf.for %while3A_36 = %while3A_30 to %while3A_26 step %while3A_33 iter_args(%while3A_37 = %while3A_32) -> (i32)  : i32 {
      %dma_start3A = arith.constant 0 : i32
      %dma_start3A_38 = tpu.memref_slice %arg6[%while3A_36, %dma_start3A] : memref<120x128xi32, #tpu.memory_space<vmem>> -> memref<1x128xi32, #tpu.memory_space<vmem>>
      %dma_start3A_39 = tpu.memref_squeeze %dma_start3A_38 : memref<1x128xi32, #tpu.memory_space<vmem>> -> memref<128xi32, #tpu.memory_space<vmem>>
      %dma_start3A_40 = arith.constant 0 : i32
      %dma_start3A_41 = arith.constant 0 : i32
      %dma_start3A_42 = tpu.memref_slice %arg2[%dma_start3A_40, %dma_start3A_41] : memref<10240x128xf32, #tpu.memory_space<hbm>> -> memref<10240x128xf32, #tpu.memory_space<hbm>>
      tpu.enqueue_indirect_dma source(%dma_start3A_42 : memref<10240x128xf32, #tpu.memory_space<hbm>>) target(%arg8 : memref<128x128xf32, #tpu.memory_space<vmem>>) offsets(%dma_start3A_39 : memref<128xi32, #tpu.memory_space<vmem>>) semaphore(%arg11 : memref<!tpu.dma_semaphore, #tpu.memory_space<semaphore_mem>>)
      %dma_wait3A = arith.constant 0 : i32
      %dma_wait3A_43 = tpu.memref_slice %arg6[%while3A_36, %dma_wait3A] : memref<120x128xi32, #tpu.memory_space<vmem>> -> memref<1x128xi32, #tpu.memory_space<vmem>>
      %dma_wait3A_44 = tpu.memref_squeeze %dma_wait3A_43 : memref<1x128xi32, #tpu.memory_space<vmem>> -> memref<128xi32, #tpu.memory_space<vmem>>
      %dma_wait3A_45 = arith.constant 0 : i32
      %dma_wait3A_46 = arith.constant 0 : i32
      %dma_wait3A_47 = tpu.memref_slice %arg2[%dma_wait3A_45, %dma_wait3A_46] : memref<10240x128xf32, #tpu.memory_space<hbm>> -> memref<10240x128xf32, #tpu.memory_space<hbm>>
      tpu.wait_indirect_dma semaphore(%arg11 : memref<!tpu.dma_semaphore, #tpu.memory_space<semaphore_mem>>) src(%dma_wait3A_47 : memref<10240x128xf32, #tpu.memory_space<hbm>>) dst(%arg8 : memref<128x128xf32, #tpu.memory_space<vmem>>)
      "tpu.region"() ({
        %run_scoped3A = tpu.sem_alloc : memref<!tpu.dma_semaphore, #tpu.memory_space<semaphore_mem>>
        %dma_start3A_49 = arith.constant 0 : i32
        %dma_start3A_50 = tpu.memref_slice %arg7[%while3A_36, %dma_start3A_49] : memref<120x128xi32, #tpu.memory_space<vmem>> -> memref<1x128xi32, #tpu.memory_space<vmem>>
        %dma_start3A_51 = tpu.memref_squeeze %dma_start3A_50 : memref<1x128xi32, #tpu.memory_space<vmem>> -> memref<128xi32, #tpu.memory_space<vmem>>
        %dma_start3A_52 = arith.constant 0 : i32
        %dma_start3A_53 = arith.constant 0 : i32
        %dma_start3A_54 = tpu.memref_slice %arg10[%dma_start3A_52, %dma_start3A_53] : memref<10240x128xf32, #tpu.memory_space<vmem_shared>> -> memref<10240x128xf32, #tpu.memory_space<vmem_shared>>
        tpu.enqueue_indirect_dma source(%arg8 : memref<128x128xf32, #tpu.memory_space<vmem>>) target(%dma_start3A_54 : memref<10240x128xf32, #tpu.memory_space<vmem_shared>>) offsets(%dma_start3A_51 : memref<128xi32, #tpu.memory_space<vmem>>) semaphore(%run_scoped3A : memref<!tpu.dma_semaphore, #tpu.memory_space<semaphore_mem>>) {add = true}
        %dma_wait3A_55 = arith.constant 0 : i32
        %dma_wait3A_56 = tpu.memref_slice %arg7[%while3A_36, %dma_wait3A_55] : memref<120x128xi32, #tpu.memory_space<vmem>> -> memref<1x128xi32, #tpu.memory_space<vmem>>
        %dma_wait3A_57 = tpu.memref_squeeze %dma_wait3A_56 : memref<1x128xi32, #tpu.memory_space<vmem>> -> memref<128xi32, #tpu.memory_space<vmem>>
        %dma_wait3A_58 = arith.constant 0 : i32
        %dma_wait3A_59 = arith.constant 0 : i32
        %dma_wait3A_60 = tpu.memref_slice %arg10[%dma_wait3A_58, %dma_wait3A_59] : memref<10240x128xf32, #tpu.memory_space<vmem_shared>> -> memref<10240x128xf32, #tpu.memory_space<vmem_shared>>
        tpu.wait_indirect_dma semaphore(%run_scoped3A : memref<!tpu.dma_semaphore, #tpu.memory_space<semaphore_mem>>) src(%arg8 : memref<128x128xf32, #tpu.memory_space<vmem>>) dst(%dma_wait3A_60 : memref<10240x128xf32, #tpu.memory_space<vmem_shared>>)
        tpu.yield
      }) : () -> ()
      %while3A_48 = arith.constant 0 : i32
      scf.yield %while3A_48 : i32
    }
    %barrier3A_35 = arith.constant 0 : index
    tpu.barrier barrier_id(%barrier3A_35)
    "tpu.region"() ({
      %run_scoped3A = tpu.sem_alloc : memref<!tpu.dma_semaphore, #tpu.memory_space<semaphore_mem>>
      %dma_start3A = arith.constant 0 : i32
      %dma_start3A_36 = arith.constant 0 : i32
      %dma_start3A_37 = tpu.memref_slice %arg5[%arg0, %dma_start3A, %dma_start3A_36] : memref<2x10240x128xf32, #tpu.memory_space<hbm>> -> memref<1x10240x128xf32, #tpu.memory_space<hbm>>
      %dma_start3A_38 = tpu.memref_squeeze %dma_start3A_37 : memref<1x10240x128xf32, #tpu.memory_space<hbm>> -> memref<10240x128xf32, #tpu.memory_space<hbm>>
      %dma_start3A_39 = arith.constant 0 : i32
      %dma_start3A_40 = tpu.memref_slice %dma_start3A_38[%mul3A_6, %dma_start3A_39] : memref<10240x128xf32, #tpu.memory_space<hbm>> -> memref<640x128xf32, #tpu.memory_space<hbm>>
      %dma_start3A_41 = arith.constant 0 : i32
      %dma_start3A_42 = tpu.memref_slice %arg10[%mul3A_6, %dma_start3A_41] : memref<10240x128xf32, #tpu.memory_space<vmem_shared>> -> memref<640x128xf32, #tpu.memory_space<vmem_shared>>
      tpu.enqueue_dma source(%dma_start3A_42 : memref<640x128xf32, #tpu.memory_space<vmem_shared>>) target(%dma_start3A_40 : memref<640x128xf32, #tpu.memory_space<hbm>>) target_semaphore(%run_scoped3A : memref<!tpu.dma_semaphore, #tpu.memory_space<semaphore_mem>>)
      %dma_wait3A = arith.constant 0 : i32
      %dma_wait3A_43 = arith.constant 0 : i32
      %dma_wait3A_44 = tpu.memref_slice %arg5[%arg0, %dma_wait3A, %dma_wait3A_43] : memref<2x10240x128xf32, #tpu.memory_space<hbm>> -> memref<1x10240x128xf32, #tpu.memory_space<hbm>>
      %dma_wait3A_45 = tpu.memref_squeeze %dma_wait3A_44 : memref<1x10240x128xf32, #tpu.memory_space<hbm>> -> memref<10240x128xf32, #tpu.memory_space<hbm>>
      %dma_wait3A_46 = arith.constant 0 : i32
      %dma_wait3A_47 = tpu.memref_slice %dma_wait3A_45[%mul3A_6, %dma_wait3A_46] : memref<10240x128xf32, #tpu.memory_space<hbm>> -> memref<640x128xf32, #tpu.memory_space<hbm>>
      %dma_wait3A_48 = arith.constant 0 : i32
      %dma_wait3A_49 = tpu.memref_slice %arg10[%mul3A_6, %dma_wait3A_48] : memref<10240x128xf32, #tpu.memory_space<vmem_shared>> -> memref<640x128xf32, #tpu.memory_space<vmem_shared>>
      tpu.wait_dma2 semaphore(%run_scoped3A : memref<!tpu.dma_semaphore, #tpu.memory_space<semaphore_mem>>) src(%dma_wait3A_49 : memref<640x128xf32, #tpu.memory_space<vmem_shared>>) dst(%dma_wait3A_47 : memref<640x128xf32, #tpu.memory_space<hbm>>)
      tpu.yield
    }) : () -> ()
    return
  }
}

module attributes {stable_mosaic.version = 14 : i64} {
  func.func @body(%arg0: i32, %arg1: memref<128x128xf32, #tpu.memory_space<vmem>>, %arg2: memref<128x128xf32, #tpu.memory_space<vmem>>, %arg3: memref<128x16xf32, #tpu.memory_space<vmem>>, %arg4: memref<128x128xf32, #tpu.memory_space<vmem>>) attributes {dimension_semantics = [#tpu.dimension_semantics<arbitrary>], iteration_bounds = array<i64: 80>, scalar_prefetch = 0 : i64, scratch_operands = 0 : i64, tpu.core_type = #tpu.core_type<tc>, window_params = [{transform_indices = @transform_0, window_bounds = array<i64: 128, 128>}, {pipeline_mode = #tpu.pipeline_mode<synchronous>, transform_indices = @transform_1, window_bounds = array<i64: 128, 128>}, {transform_indices = @transform_2, window_bounds = array<i64: 128, 16>}, {transform_indices = @transform_3, window_bounds = array<i64: 128, 128>}]} {
    %get3A = arith.constant 0 : index
    %get3A_0 = arith.constant 0 : index
    %get3A_1 = vector.load %arg3[%get3A, %get3A_0] : memref<128x16xf32, #tpu.memory_space<vmem>>, vector<128x16xf32>
    %reduce_sum3A = arith.constant dense<0.000000e+00> : vector<128xf32>
    %reduce_sum3A_2 = vector.multi_reduction <add>, %get3A_1, %reduce_sum3A [1] : vector<128x16xf32> to vector<128xf32>
    %broadcast_in_dim3A = vector.shape_cast %reduce_sum3A_2 : vector<128xf32> to vector<128x1xf32>
    %mul3A = arith.constant 6.250000e-02 : f32
    %mul3A_3 = vector.broadcast %mul3A : f32 to vector<128x1xf32>
    %mul3A_4 = arith.mulf %broadcast_in_dim3A, %mul3A_3 : vector<128x1xf32>
    %mul3A_5 = arith.constant 128 : i32
    %mul3A_6 = arith.muli %arg0, %mul3A_5 : i32
    %iota3A = tpu.iota {dimensions = array<i32: 0>} : vector<128x1xi32>
    %add3A = vector.broadcast %mul3A_6 : i32 to vector<128x1xi32>
    %add3A_7 = arith.addi %add3A, %iota3A : vector<128x1xi32>
    %lt3A = arith.constant 10000 : i32
    %lt3A_8 = vector.broadcast %lt3A : i32 to vector<128x1xi32>
    %lt3A_9 = arith.cmpi slt, %add3A_7, %lt3A_8 : vector<128x1xi32>
    %jit3A = arith.constant 1.000000e+00 : f32
    %jit3A_10 = arith.constant 0.000000e+00 : f32
    %broadcast_in_dim3A_11 = vector.broadcast %jit3A : f32 to vector<128x1xf32>
    %broadcast_in_dim3A_12 = vector.broadcast %jit3A_10 : f32 to vector<128x1xf32>
    %select_n3A = arith.select %lt3A_9, %broadcast_in_dim3A_11, %broadcast_in_dim3A_12 : vector<128x1xi1>, vector<128x1xf32>
    %add3A_13 = arith.addf %mul3A_4, %select_n3A : vector<128x1xf32>
    %gt3A = arith.constant 0.000000e+00 : f32
    %gt3A_14 = vector.broadcast %gt3A : f32 to vector<128x1xf32>
    %gt3A_15 = arith.cmpf ogt, %add3A_13, %gt3A_14 : vector<128x1xf32>
    %rsqrt3A = math.rsqrt %add3A_13 : vector<128x1xf32>
    %jit3A_16 = arith.constant 0.000000e+00 : f32
    %broadcast_in_dim3A_17 = vector.broadcast %jit3A_16 : f32 to vector<128x1xf32>
    %select_n3A_18 = arith.select %gt3A_15, %rsqrt3A, %broadcast_in_dim3A_17 : vector<128x1xi1>, vector<128x1xf32>
    %get3A_19 = arith.constant 0 : index
    %get3A_20 = arith.constant 0 : index
    %get3A_21 = vector.load %arg1[%get3A_19, %get3A_20] : memref<128x128xf32, #tpu.memory_space<vmem>>, vector<128x128xf32>
    %get3A_22 = arith.constant 0 : index
    %get3A_23 = arith.constant 0 : index
    %get3A_24 = vector.load %arg2[%get3A_22, %get3A_23] : memref<128x128xf32, #tpu.memory_space<vmem>>, vector<128x128xf32>
    %dot_general3A = arith.constant dense<0.000000e+00> : vector<128x128xf32>
    %dot_general3A_25 = tpu.matmul %get3A_21, %get3A_24, %dot_general3A {dimension_numbers = #tpu.dot_dimension_numbers<[1], [0], [0], [1], [0, 0, 1, 1], [], []>, transpose_lhs_hint = false} : vector<128x128xf32>, vector<128x128xf32>, vector<128x128xf32> -> vector<128x128xf32>
    %mul3A_26 = vector.broadcast %select_n3A_18 : vector<128x1xf32> to vector<128x128xf32>
    %mul3A_27 = arith.mulf %dot_general3A_25, %mul3A_26 : vector<128x128xf32>
    %swap3A = arith.constant 0 : index
    %swap3A_28 = arith.constant 0 : index
    %swap3A_29 = vector.load %arg4[%swap3A, %swap3A_28] : memref<128x128xf32, #tpu.memory_space<vmem>>, vector<128x128xf32>
    tpu.vector_store %arg4[%swap3A, %swap3A_28], %mul3A_27 {strides = array<i32>} : memref<128x128xf32, #tpu.memory_space<vmem>>, vector<128x128xf32>,
    return
  }
  func.func @transform_0(%arg0: i32) -> (i32, i32) {
    %c0_i32 = arith.constant 0 : i32
    %c0_i32_0 = arith.constant 0 : i32
    return %arg0, %c0_i32 : i32, i32
  }
  func.func @transform_1(%arg0: i32) -> (i32, i32) {
    %c0_i32 = arith.constant 0 : i32
    %c0_i32_0 = arith.constant 0 : i32
    %c0_i32_1 = arith.constant 0 : i32
    return %c0_i32, %c0_i32_0 : i32, i32
  }
  func.func @transform_2(%arg0: i32) -> (i32, i32) {
    %c0_i32 = arith.constant 0 : i32
    %c0_i32_0 = arith.constant 0 : i32
    return %arg0, %c0_i32 : i32, i32
  }
  func.func @transform_3(%arg0: i32) -> (i32, i32) {
    %c0_i32 = arith.constant 0 : i32
    %c0_i32_0 = arith.constant 0 : i32
    return %arg0, %c0_i32 : i32, i32
  }
}

module attributes {stable_mosaic.version = 14 : i64} {
  func.func @body(%arg0: i32, %arg1: memref<128x128xf32, #tpu.memory_space<vmem>>, %arg2: memref<128x128xf32, #tpu.memory_space<vmem>>, %arg3: memref<128x128xf32, #tpu.memory_space<vmem>>, %arg4: memref<1x128xf32, #tpu.memory_space<vmem>>, %arg5: memref<128x128xf32, #tpu.memory_space<vmem>>, %arg6: memref<128x16xf32, #tpu.memory_space<vmem>>, %arg7: memref<128x128xf32, #tpu.memory_space<vmem>>) attributes {dimension_semantics = [#tpu.dimension_semantics<arbitrary>], iteration_bounds = array<i64: 80>, scalar_prefetch = 0 : i64, scratch_operands = 0 : i64, tpu.core_type = #tpu.core_type<tc>, window_params = [{transform_indices = @transform_0, window_bounds = array<i64: 128, 128>}, {transform_indices = @transform_1, window_bounds = array<i64: 128, 128>}, {transform_indices = @transform_2, window_bounds = array<i64: 128, 128>}, {pipeline_mode = #tpu.pipeline_mode<synchronous>, transform_indices = @transform_3, window_bounds = array<i64: 1, 128>}, {pipeline_mode = #tpu.pipeline_mode<synchronous>, transform_indices = @transform_4, window_bounds = array<i64: 128, 128>}, {transform_indices = @transform_5, window_bounds = array<i64: 128, 16>}, {transform_indices = @transform_6, window_bounds = array<i64: 128, 128>}]} {
    %get3A = arith.constant 0 : index
    %get3A_0 = arith.constant 0 : index
    %get3A_1 = vector.load %arg6[%get3A, %get3A_0] : memref<128x16xf32, #tpu.memory_space<vmem>>, vector<128x16xf32>
    %reduce_sum3A = arith.constant dense<0.000000e+00> : vector<128xf32>
    %reduce_sum3A_2 = vector.multi_reduction <add>, %get3A_1, %reduce_sum3A [1] : vector<128x16xf32> to vector<128xf32>
    %broadcast_in_dim3A = vector.shape_cast %reduce_sum3A_2 : vector<128xf32> to vector<128x1xf32>
    %mul3A = arith.constant 6.250000e-02 : f32
    %mul3A_3 = vector.broadcast %mul3A : f32 to vector<128x1xf32>
    %mul3A_4 = arith.mulf %broadcast_in_dim3A, %mul3A_3 : vector<128x1xf32>
    %mul3A_5 = arith.constant 128 : i32
    %mul3A_6 = arith.muli %arg0, %mul3A_5 : i32
    %iota3A = tpu.iota {dimensions = array<i32: 0>} : vector<128x1xi32>
    %add3A = vector.broadcast %mul3A_6 : i32 to vector<128x1xi32>
    %add3A_7 = arith.addi %add3A, %iota3A : vector<128x1xi32>
    %lt3A = arith.constant 10000 : i32
    %lt3A_8 = vector.broadcast %lt3A : i32 to vector<128x1xi32>
    %lt3A_9 = arith.cmpi slt, %add3A_7, %lt3A_8 : vector<128x1xi32>
    %jit3A = arith.constant 1.000000e+00 : f32
    %jit3A_10 = arith.constant 0.000000e+00 : f32
    %broadcast_in_dim3A_11 = vector.broadcast %jit3A : f32 to vector<128x1xf32>
    %broadcast_in_dim3A_12 = vector.broadcast %jit3A_10 : f32 to vector<128x1xf32>
    %select_n3A = arith.select %lt3A_9, %broadcast_in_dim3A_11, %broadcast_in_dim3A_12 : vector<128x1xi1>, vector<128x1xf32>
    %add3A_13 = arith.addf %mul3A_4, %select_n3A : vector<128x1xf32>
    %gt3A = arith.constant 0.000000e+00 : f32
    %gt3A_14 = vector.broadcast %gt3A : f32 to vector<128x1xf32>
    %gt3A_15 = arith.cmpf ogt, %add3A_13, %gt3A_14 : vector<128x1xf32>
    %rsqrt3A = math.rsqrt %add3A_13 : vector<128x1xf32>
    %jit3A_16 = arith.constant 0.000000e+00 : f32
    %broadcast_in_dim3A_17 = vector.broadcast %jit3A_16 : f32 to vector<128x1xf32>
    %select_n3A_18 = arith.select %gt3A_15, %rsqrt3A, %broadcast_in_dim3A_17 : vector<128x1xi1>, vector<128x1xf32>
    %get3A_19 = arith.constant 0 : index
    %get3A_20 = arith.constant 0 : index
    %get3A_21 = vector.load %arg1[%get3A_19, %get3A_20] : memref<128x128xf32, #tpu.memory_space<vmem>>, vector<128x128xf32>
    %get3A_22 = arith.constant 0 : index
    %get3A_23 = arith.constant 0 : index
    %get3A_24 = vector.load %arg2[%get3A_22, %get3A_23] : memref<128x128xf32, #tpu.memory_space<vmem>>, vector<128x128xf32>
    %add3A_25 = arith.addf %get3A_21, %get3A_24 : vector<128x128xf32>
    %get3A_26 = arith.constant 0 : index
    %get3A_27 = arith.constant 0 : index
    %get3A_28 = vector.load %arg3[%get3A_26, %get3A_27] : memref<128x128xf32, #tpu.memory_space<vmem>>, vector<128x128xf32>
    %add3A_29 = arith.addf %add3A_25, %get3A_28 : vector<128x128xf32>
    %mul3A_30 = vector.broadcast %select_n3A_18 : vector<128x1xf32> to vector<128x128xf32>
    %mul3A_31 = arith.mulf %mul3A_30, %add3A_29 : vector<128x128xf32>
    %get3A_32 = arith.constant 0 : index
    %get3A_33 = arith.constant 0 : index
    %get3A_34 = vector.load %arg4[%get3A_32, %get3A_33] : memref<1x128xf32, #tpu.memory_space<vmem>>, vector<1x128xf32>
    %add3A_35 = vector.broadcast %get3A_34 : vector<1x128xf32> to vector<128x128xf32>
    %add3A_36 = arith.addf %mul3A_31, %add3A_35 : vector<128x128xf32>
    %max3A = arith.constant 0.000000e+00 : f32
    %max3A_37 = vector.broadcast %max3A : f32 to vector<128x128xf32>
    %max3A_38 = arith.maximumf %add3A_36, %max3A_37 : vector<128x128xf32>
    %get3A_39 = arith.constant 0 : index
    %get3A_40 = arith.constant 0 : index
    %get3A_41 = vector.load %arg5[%get3A_39, %get3A_40] : memref<128x128xf32, #tpu.memory_space<vmem>>, vector<128x128xf32>
    %dot_general3A = arith.constant dense<0.000000e+00> : vector<128x128xf32>
    %dot_general3A_42 = tpu.matmul %max3A_38, %get3A_41, %dot_general3A {dimension_numbers = #tpu.dot_dimension_numbers<[1], [0], [0], [1], [0, 0, 1, 1], [], []>, transpose_lhs_hint = false} : vector<128x128xf32>, vector<128x128xf32>, vector<128x128xf32> -> vector<128x128xf32>
    %mul3A_43 = vector.broadcast %select_n3A_18 : vector<128x1xf32> to vector<128x128xf32>
    %mul3A_44 = arith.mulf %dot_general3A_42, %mul3A_43 : vector<128x128xf32>
    %swap3A = arith.constant 0 : index
    %swap3A_45 = arith.constant 0 : index
    %swap3A_46 = vector.load %arg7[%swap3A, %swap3A_45] : memref<128x128xf32, #tpu.memory_space<vmem>>, vector<128x128xf32>
    tpu.vector_store %arg7[%swap3A, %swap3A_45], %mul3A_44 {strides = array<i32>} : memref<128x128xf32, #tpu.memory_space<vmem>>, vector<128x128xf32>,
    return
  }
  func.func @transform_0(%arg0: i32) -> (i32, i32) {
    %c0_i32 = arith.constant 0 : i32
    %c0_i32_0 = arith.constant 0 : i32
    return %arg0, %c0_i32 : i32, i32
  }
  func.func @transform_1(%arg0: i32) -> (i32, i32) {
    %c0_i32 = arith.constant 0 : i32
    %c0_i32_0 = arith.constant 0 : i32
    return %arg0, %c0_i32 : i32, i32
  }
  func.func @transform_2(%arg0: i32) -> (i32, i32) {
    %c0_i32 = arith.constant 0 : i32
    %c0_i32_0 = arith.constant 0 : i32
    return %arg0, %c0_i32 : i32, i32
  }
  func.func @transform_3(%arg0: i32) -> (i32, i32) {
    %c0_i32 = arith.constant 0 : i32
    %c0_i32_0 = arith.constant 0 : i32
    %c0_i32_1 = arith.constant 0 : i32
    return %c0_i32, %c0_i32_0 : i32, i32
  }
  func.func @transform_4(%arg0: i32) -> (i32, i32) {
    %c0_i32 = arith.constant 0 : i32
    %c0_i32_0 = arith.constant 0 : i32
    %c0_i32_1 = arith.constant 0 : i32
    return %c0_i32, %c0_i32_0 : i32, i32
  }
  func.func @transform_5(%arg0: i32) -> (i32, i32) {
    %c0_i32 = arith.constant 0 : i32
    %c0_i32_0 = arith.constant 0 : i32
    return %arg0, %c0_i32 : i32, i32
  }
  func.func @transform_6(%arg0: i32) -> (i32, i32) {
    %c0_i32 = arith.constant 0 : i32
    %c0_i32_0 = arith.constant 0 : i32
    return %arg0, %c0_i32 : i32, i32
  }
}

module attributes {stable_mosaic.version = 14 : i64} {
  func.func @body(%arg0: i32, %arg1: memref<128x128xf32, #tpu.memory_space<vmem>>, %arg2: memref<128x128xf32, #tpu.memory_space<vmem>>, %arg3: memref<128x128xf32, #tpu.memory_space<vmem>>, %arg4: memref<1x128xf32, #tpu.memory_space<vmem>>, %arg5: memref<128x16xf32, #tpu.memory_space<vmem>>, %arg6: memref<128x128xf32, #tpu.memory_space<vmem>>) attributes {dimension_semantics = [#tpu.dimension_semantics<arbitrary>], iteration_bounds = array<i64: 80>, scalar_prefetch = 0 : i64, scratch_operands = 0 : i64, tpu.core_type = #tpu.core_type<tc>, window_params = [{transform_indices = @transform_0, window_bounds = array<i64: 128, 128>}, {transform_indices = @transform_1, window_bounds = array<i64: 128, 128>}, {transform_indices = @transform_2, window_bounds = array<i64: 128, 128>}, {pipeline_mode = #tpu.pipeline_mode<synchronous>, transform_indices = @transform_3, window_bounds = array<i64: 1, 128>}, {transform_indices = @transform_4, window_bounds = array<i64: 128, 16>}, {transform_indices = @transform_5, window_bounds = array<i64: 128, 128>}]} {
    %get3A = arith.constant 0 : index
    %get3A_0 = arith.constant 0 : index
    %get3A_1 = vector.load %arg5[%get3A, %get3A_0] : memref<128x16xf32, #tpu.memory_space<vmem>>, vector<128x16xf32>
    %reduce_sum3A = arith.constant dense<0.000000e+00> : vector<128xf32>
    %reduce_sum3A_2 = vector.multi_reduction <add>, %get3A_1, %reduce_sum3A [1] : vector<128x16xf32> to vector<128xf32>
    %broadcast_in_dim3A = vector.shape_cast %reduce_sum3A_2 : vector<128xf32> to vector<128x1xf32>
    %mul3A = arith.constant 6.250000e-02 : f32
    %mul3A_3 = vector.broadcast %mul3A : f32 to vector<128x1xf32>
    %mul3A_4 = arith.mulf %broadcast_in_dim3A, %mul3A_3 : vector<128x1xf32>
    %mul3A_5 = arith.constant 128 : i32
    %mul3A_6 = arith.muli %arg0, %mul3A_5 : i32
    %iota3A = tpu.iota {dimensions = array<i32: 0>} : vector<128x1xi32>
    %add3A = vector.broadcast %mul3A_6 : i32 to vector<128x1xi32>
    %add3A_7 = arith.addi %add3A, %iota3A : vector<128x1xi32>
    %lt3A = arith.constant 10000 : i32
    %lt3A_8 = vector.broadcast %lt3A : i32 to vector<128x1xi32>
    %lt3A_9 = arith.cmpi slt, %add3A_7, %lt3A_8 : vector<128x1xi32>
    %jit3A = arith.constant 1.000000e+00 : f32
    %jit3A_10 = arith.constant 0.000000e+00 : f32
    %broadcast_in_dim3A_11 = vector.broadcast %jit3A : f32 to vector<128x1xf32>
    %broadcast_in_dim3A_12 = vector.broadcast %jit3A_10 : f32 to vector<128x1xf32>
    %select_n3A = arith.select %lt3A_9, %broadcast_in_dim3A_11, %broadcast_in_dim3A_12 : vector<128x1xi1>, vector<128x1xf32>
    %add3A_13 = arith.addf %mul3A_4, %select_n3A : vector<128x1xf32>
    %gt3A = arith.constant 0.000000e+00 : f32
    %gt3A_14 = vector.broadcast %gt3A : f32 to vector<128x1xf32>
    %gt3A_15 = arith.cmpf ogt, %add3A_13, %gt3A_14 : vector<128x1xf32>
    %rsqrt3A = math.rsqrt %add3A_13 : vector<128x1xf32>
    %jit3A_16 = arith.constant 0.000000e+00 : f32
    %broadcast_in_dim3A_17 = vector.broadcast %jit3A_16 : f32 to vector<128x1xf32>
    %select_n3A_18 = arith.select %gt3A_15, %rsqrt3A, %broadcast_in_dim3A_17 : vector<128x1xi1>, vector<128x1xf32>
    %get3A_19 = arith.constant 0 : index
    %get3A_20 = arith.constant 0 : index
    %get3A_21 = vector.load %arg1[%get3A_19, %get3A_20] : memref<128x128xf32, #tpu.memory_space<vmem>>, vector<128x128xf32>
    %get3A_22 = arith.constant 0 : index
    %get3A_23 = arith.constant 0 : index
    %get3A_24 = vector.load %arg2[%get3A_22, %get3A_23] : memref<128x128xf32, #tpu.memory_space<vmem>>, vector<128x128xf32>
    %add3A_25 = arith.addf %get3A_21, %get3A_24 : vector<128x128xf32>
    %get3A_26 = arith.constant 0 : index
    %get3A_27 = arith.constant 0 : index
    %get3A_28 = vector.load %arg3[%get3A_26, %get3A_27] : memref<128x128xf32, #tpu.memory_space<vmem>>, vector<128x128xf32>
    %add3A_29 = arith.addf %add3A_25, %get3A_28 : vector<128x128xf32>
    %mul3A_30 = vector.broadcast %select_n3A_18 : vector<128x1xf32> to vector<128x128xf32>
    %mul3A_31 = arith.mulf %mul3A_30, %add3A_29 : vector<128x128xf32>
    %get3A_32 = arith.constant 0 : index
    %get3A_33 = arith.constant 0 : index
    %get3A_34 = vector.load %arg4[%get3A_32, %get3A_33] : memref<1x128xf32, #tpu.memory_space<vmem>>, vector<1x128xf32>
    %add3A_35 = vector.broadcast %get3A_34 : vector<1x128xf32> to vector<128x128xf32>
    %add3A_36 = arith.addf %mul3A_31, %add3A_35 : vector<128x128xf32>
    %swap3A = arith.constant 0 : index
    %swap3A_37 = arith.constant 0 : index
    %swap3A_38 = vector.load %arg6[%swap3A, %swap3A_37] : memref<128x128xf32, #tpu.memory_space<vmem>>, vector<128x128xf32>
    tpu.vector_store %arg6[%swap3A, %swap3A_37], %add3A_36 {strides = array<i32>} : memref<128x128xf32, #tpu.memory_space<vmem>>, vector<128x128xf32>,
    return
  }
  func.func @transform_0(%arg0: i32) -> (i32, i32) {
    %c0_i32 = arith.constant 0 : i32
    %c0_i32_0 = arith.constant 0 : i32
    return %arg0, %c0_i32 : i32, i32
  }
  func.func @transform_1(%arg0: i32) -> (i32, i32) {
    %c0_i32 = arith.constant 0 : i32
    %c0_i32_0 = arith.constant 0 : i32
    return %arg0, %c0_i32 : i32, i32
  }
  func.func @transform_2(%arg0: i32) -> (i32, i32) {
    %c0_i32 = arith.constant 0 : i32
    %c0_i32_0 = arith.constant 0 : i32
    return %arg0, %c0_i32 : i32, i32
  }
  func.func @transform_3(%arg0: i32) -> (i32, i32) {
    %c0_i32 = arith.constant 0 : i32
    %c0_i32_0 = arith.constant 0 : i32
    %c0_i32_1 = arith.constant 0 : i32
    return %c0_i32, %c0_i32_0 : i32, i32
  }
  func.func @transform_4(%arg0: i32) -> (i32, i32) {
    %c0_i32 = arith.constant 0 : i32
    %c0_i32_0 = arith.constant 0 : i32
    return %arg0, %c0_i32 : i32, i32
  }
  func.func @transform_5(%arg0: i32) -> (i32, i32) {
    %c0_i32 = arith.constant 0 : i32
    %c0_i32_0 = arith.constant 0 : i32
    return %arg0, %c0_i32 : i32, i32
  }
}

</mosaic_0001>

<sc_bundles>
// kernel: kernel.11.cloned.1.call-start
scs
__scs_entry_jumppad:
0x0: {  	(pc) =	sbr.rel $0x88, $3  }
0x1: {  	(tag) =	ssettag $0x0;
	lr =	simm.s32 $0x1  }
0x2: {  	[smem:$0x3F9B] =	sst lr;
	_ =	strace $0xD0000000  }
0x3: {  	_ = 	snop  }
0x4: {  	_ = 	snop  }
0x5: {  	_ = 	snop  }
0x6: {  	_ = 	snop  }
0x7: {  	_ = 	snop  }
__scs_overlays_trampoline_lowered:
0x8: {  	[smem:$0x3FAA] =	sst s0  }
0x9: {  	[smem:$0x3FAB] =	sst s1  }
0xa: {  	[smem:$0x3FAC] =	sst s2  }
0xb: {  	[smem:$0x3FAD] =	sst s3  }
0xc: {  	[smem:$0x3FAE] =	sst s4  }
0xd: {  	[smem:$0x3FAF] =	sst s5  }
0xe: {  	[smem:$0x3FB0] =	sst s6  }
0xf: {  	[smem:$0x3FB1] =	sst s7  }
0x10: {  	[smem:$0x3FB2] =	sst s8  }
0x11: {  	[smem:$0x3FB3] =	sst s9;
	s0 =	simm.s32 @!p0 $0x0  }
0x12: {  	s1 =	sld [smem:$0x3F99];
	s0 =	simm.s32 @p0 $0x1  }
0x13: {  	[smem:$0x3FB4] =	sst s0;
	s0 =	simm.s32 @!p1 $0x0  }
0x14: {  	s2 =	sld [smem:$0x3F98];
	s0 =	simm.s32 @p1 $0x1  }
0x15: {  	[smem:$0x3FB5] =	sst s0;
	s0 =	simm.s32 @!p2 $0x0  }
0x16: {  	s3 =	sld [smem:$0x3FDB];
	s0 =	simm.s32 @p2 $0x1  }
0x17: {  	s4 =	simm.s32 $0x1BF5;
	[smem:$0x3FB7] =	sst s0  }
0x18: {  	s0 =	sld [smem:$0x3F9A];
	_ =	swait.ge [sflag:s4], $0x0  }
0x19: {  	s7 =	sld [smem:$0x3F9B]  }
0x1a: {  	s8 =	sadd.s32 $0xFFFFE003, lr  }
0x1b: {  	s9 =	sadd.s32 $0xFFFFFEF7, lr;
	s5 =	simm.s32 $0xFFFFFFFF;
	p2 =	slt.u32 s8, $0xFFFFF086  }
0x1c: {  	p1 =	slt.u32 s9, $0xF7A;
	s5 =	simm.s32 @!p2 $0x0  }
0x1d: {  	s5 =	simm.s32 @p1 $0x1;
	p0 =	seq.s32 s7, s2  }
0x1e: {  	s7 =	smul.u32 @!p0 $0xF7A, s2;
	p2 =	seq.s32 @!p0 s5, $0x0  }
0x1f: {  	s9 =	smul.u32 $0xF7A, s1;
	s8 =	simm.s32 @!p0 $0x1BF5;
	p2 =	por !p2, p0  }
0x20: {  	[sflag:s8] =	ssyncset.s32 @!p0 $0xFFFFF086;
	s6 =	sadd.s32 @!p0 s3, s7;
	s7 =	simm.s32 @!p0 $0x108  }
0x21: {  	s3 =	sadd.s32 s3, s9;
	s6 =	sadd.s32 @!p0 $0x88, s6;
	s7 =	simm.s32 @p2 $0x1082  }
0x22: {  	[simem:s7], [sflag:s8] =	dma.local @!p0 [hbm:s6], $0xF7A  }
0x23: {  	s9 =	sor.u32 $0xD0000000, s2;
	s6 =	simm.s32 $0x108;
	_ =	swait.ge @!p0 [sflag:s8], $0x0  }
0x24: {  	s3 =	sadd.s32 $0x88, s3;
	s6 =	simm.s32 @!p1 $0x1082;
	[sflag:s4] =	ssyncset.s32 $0xFFFFF086  }
0x25: {  	[simem:s6], [sflag:s4] =	dma.local [hbm:s3], $0xF7A  }
0x26: {  	[smem:$0x3F9B] =	sst s1;
	(tag) =	ssettag s2;
	_ =	strace s9  }
0x27: {  	s1 =	sld [smem:$0x3FAB]  }
0x28: {  	s2 =	sld [smem:$0x3FAC]  }
0x29: {  	s4 =	sld [smem:$0x3FAE]  }
0x2a: {  	p0 =	seq.s32 s5, $0x0;
	s5 =	sld [smem:$0x3FAF]  }
0x2b: {  	s6 =	sld [smem:$0x3FB0]  }
0x2c: {  	s7 =	sld [smem:$0x3FB1]  }
0x2d: {  	s3 =	simm.s32 $0x108;
	s8 =	sld [smem:$0x3FB2]  }
0x2e: {  	s3 =	simm.s32 @!p0 $0x1082;
	s9 =	sld [smem:$0x3FB3]  }
0x2f: {  	lr =	sadd.s32 s0, s3;
	s0 =	sld [smem:$0x3FAA]  }
0x30: {  	s3 =	sld [smem:$0x3FAD]  }
0x31: {  	[smem:$0x3FB6] =	sst s10  }
0x32: {  	s10 =	sld [smem:$0x3FB4];
	_ =	sdelay $0x3  }
0x33: {  	p0 =	seq.s32 s10, $0x1;
	s10 =	sld [smem:$0x3FB6];
	_ =	sdelay $0x3  }
0x34: {  	[smem:$0x3FB6] =	sst s10  }
0x35: {  	s10 =	sld [smem:$0x3FB5];
	_ =	sdelay $0x3  }
0x36: {  	p1 =	seq.s32 s10, $0x1;
	s10 =	sld [smem:$0x3FB6];
	_ =	sdelay $0x3  }
0x37: {  	[smem:$0x3FB6] =	sst s10  }
0x38: {  	s10 =	sld [smem:$0x3FB7]  }
0x39: {  	_ = 	snop;
	(pc) =	sbr.ind lr, $3  }
0x3a: {  	_ = 	snop  }
0x3b: {  	_ = 	snop  }
0x3c: {  	p2 =	seq.s32 s10, $0x1;
	s10 =	sld [smem:$0x3FB6]  }
0x3d: {  	_ =	shalt  }
0x3e: {  	_ =	shalt  }
0x3f: {  	_ =	shalt  }
0x40: {  	_ =	shalt  }
0x41: {  	_ =	shalt  }
0x42: {  	_ =	shalt  }
0x43: {  	_ =	shalt  }
0x44: {  	_ =	shalt  }
0x45: {  	_ =	shalt  }
0x46: {  	_ =	shalt  }
0x47: {  	_ =	shalt  }
0x48: {  	_ =	shalt  }
0x49: {  	_ =	shalt  }
0x4a: {  	_ =	shalt  }
0x4b: {  	_ =	shalt  }
0x4c: {  	_ =	shalt  }
0x4d: {  	_ =	shalt  }
0x4e: {  	_ =	shalt  }
0x4f: {  	_ =	shalt  }
0x50: {  	_ =	shalt  }
0x51: {  	_ =	shalt  }
0x52: {  	_ =	shalt  }
0x53: {  	_ =	shalt  }
0x54: {  	_ =	shalt  }
0x55: {  	_ =	shalt  }
0x56: {  	_ =	shalt  }
0x57: {  	_ =	shalt  }
0x58: {  	_ =	shalt  }
0x59: {  	_ =	shalt  }
0x5a: {  	_ =	shalt  }
0x5b: {  	_ =	shalt  }
0x5c: {  	_ =	shalt  }
0x5d: {  	_ =	shalt  }
0x5e: {  	_ =	shalt  }
0x5f: {  	_ =	shalt  }
0x60: {  	_ =	shalt  }
0x61: {  	_ =	shalt  }
0x62: {  	_ =	shalt  }
0x63: {  	_ =	shalt  }
0x64: {  	_ =	shalt  }
0x65: {  	_ =	shalt  }
0x66: {  	_ =	shalt  }
0x67: {  	_ =	shalt  }
0x68: {  	_ =	shalt  }
0x69: {  	_ =	shalt  }
0x6a: {  	_ =	shalt  }
0x6b: {  	_ =	shalt  }
0x6c: {  	_ =	shalt  }
0x6d: {  	_ =	shalt  }
0x6e: {  	_ =	shalt  }
0x6f: {  	_ =	shalt  }
0x70: {  	_ =	shalt  }
0x71: {  	_ =	shalt  }
0x72: {  	_ =	shalt  }
0x73: {  	_ =	shalt  }
0x74: {  	_ =	shalt  }
0x75: {  	_ =	shalt  }
0x76: {  	_ =	shalt  }
0x77: {  	_ =	shalt  }
0x78: {  	_ =	shalt  }
0x79: {  	_ =	shalt  }
0x7a: {  	_ =	shalt  }
0x7b: {  	_ =	shalt  }
0x7c: {  	_ =	shalt  }
0x7d: {  	_ =	shalt  }
0x7e: {  	_ =	shalt  }
0x7f: {  	_ =	shalt  }
0x80: {  	_ =	shalt  }
0x81: {  	_ =	shalt  }
0x82: {  	_ =	shalt  }
0x83: {  	_ =	shalt  }
0x84: {  	_ =	shalt  }
0x85: {  	_ =	shalt  }
0x86: {  	_ =	shalt  }
0x87: {  	_ =	shalt  }
.Lfunc_end0:
.L_simem_size_0:
called_computation.1_lowered:
.L_overlay_start_0:
0x88: {  	s2 =	sld [smem:$0x3FD9]  }
0x89: {  	s3 =	sld [smem:$0x3FFE];
	_ =	sdelay $0x1  }
0x8a: {  	s1 =	srdreg.scid  }
0x8b: {  	s0 =	sand.u32 $0x1, s1  }
0x8c: {  	s17 =	sshll.u32 s0, $0xA;
	s2 =	sadd.s32 s3, s2  }
0x8d: {  	s2 =	sadd.s32 s2, s17  }
0x8e: {  	[smem:$0x3FC2] =	sst s2  }
0x8f: {  	_ = 	snop  }
0x90: {  	s2 =	sld [smem:$0x3FD0];
	(tm) =	ssettm $0x1  }
0x91: {  	s18 =	sld [smem:$0x3FFB];
	_ =	sdelay $0x3  }
0x92: {  	_ =	strace s18  }
0x93: {  	s3 =	sld [smem:$0x3FFC];
	_ =	sdelay $0x3  }
0x94: {  	_ =	strace s3  }
0x95: {  	s3 =	sld [smem:$0x3FFD];
	_ =	sdelay $0x3  }
0x96: {  	_ =	strace s3  }
0x97: {  	_ =	strace $0x8FFFFFFF  }
0x98: {  	s19 =	sld [smem:$0x3FDB];
	_ =	sdelay $0x1  }
0x99: {  	s4 =	simm.s32 $_scs_section_size  }
0x9a: {  	s5 =	simm.s32 $_size__tile_overlayer_lowered;
	s6 =	simm.s32 $_tile_overlayer_lowered  }
0x9b: {  	s22 =	simm.s32 $0x1BFF;
	s21 =	sshll.u32 s6, $0x1;
	s3 =	sadd.s32 s4, s19  }
0x9c: {  	s7 =	simm.s32 $0x0;
	s20 =	sshll.u32 s5, $0x1;
	s5 =	sadd.s32 s21, s3  }
0x9d: {  	[timem:s7], [sflag:s22] =	dma.local [hbm:s5], s20  }
0x9e: {  	_ =	swait.ge [sflag:s22], s20  }
0x9f: {  	s4 =	ssub.s32 $0x0, s20;
	[sflag:s22] =	ssyncset.done $0x0  }
0xa0: {  	[sflag:s22] =	ssyncadd.s32 s4;
	_ =	sdelay $0x1  }
0xa1: {  	s23 =	simm.s32 $0x1B8B  }
0xa2: {  	_ =	swait.ge [sflag:s23], $0x1  }
0xa3: {  	[sflag:s23] =	ssyncset.done $0x0  }
0xa4: {  	s25 =	simm.s32 $0x1B8E;
	s24 =	sld [smem:$0x3FFE];
	[sflag:s23] =	ssyncadd.s32 $0xFFFFFFFF  }
0xa5: {  	s26 =	simm.s32 $execute0_lowered;
	[smem:$0x3FD2] =	sst s25  }
0xa6: {  	s5 =	sshll.u32 s26, $0x1;
	_ =	strace $0x80000049;
	[dreg:$0x1] =	wrdreg $0xFFFFFFFF  }
0xa7: {  	s28 =	simm.s32 $_size_execute0_lowered;
	s3 =	sadd.s32 s3, s5;
	[dreg:$0x0] =	wrdreg $0x0  }
0xa8: {  	s5 =	sshll.u32 s28, $0x1;
	[dreg:$0x2] =	wrdreg s3  }
0xa9: {  	[dreg:$0x3] =	wrdreg s5  }
0xaa: {  	[dreg:$0x4] =	wrdreg $0xC0  }
0xab: {  	_ =	task [dreg:s7], $0x5FFFF  }
0xac: {  	[dreg:$0x1] =	wrdreg $0xFFFFFFFF  }
0xad: {  	[dreg:$0x0] =	wrdreg $0x60  }
0xae: {  	[dreg:$0x2] =	wrdreg s24  }
0xaf: {  	[dreg:$0x3] =	wrdreg s2  }
0xb0: {  	[dreg:$0x4] =	wrdreg $0xBC000  }
0xb1: {  	[dreg:$0x5] =	wrdreg $0x9  }
0xb2: {  	_ =	task.clear_ibuf [dreg:s7], $0x6FFFF;
	_ =	strace $0x90000049  }
0xb3: {  	s29 =	simm.s32 $0x9;
	_ =	strace $0x8000004B  }
0xb4: {  	_ =	swait.ge [sflag:s29], $0x1  }
0xb5: {  	[sflag:s29] =	ssyncadd.s32 $0xFFFFFFFF  }
0xb6: {  	_ =	strace $0x9000004B  }
0xb7: {  	_ =	sfence  }
0xb8: {  	s30 =	sld [smem:$0x0];
	_ =	sdelay $0x2  }
0xb9: {  	s31 =	sshll.u32 s1, $0xD;
	s1 =	sshrl.u32 s1, $0x2  }
0xba: {  	s3 =	sand.u32 $0x4000, s31;
	s1 =	sadd.s32 s1, s30  }
0xbb: {  	s0 =	sor.u32 s3, s0;
	s1 =	sshll.u32 s1, $0x11  }
0xbc: {  	s0 =	sor.u32 s1, s0  }
0xbd: {  	s0 =	sadd.s32 $0x8F2B, s0  }
0xbe: {  	[sflag:s0] =	ssyncadd.remote.s32 $0x1  }
0xbf: {  	_ =	sfence.sel $0xFFFF  }
0xc0: {  	[dreg:$0x0] =	wrdreg $0xFFFFFFFF;
	(pc) =	sbr.abs _section_cstart, $3  }
0xc1: {  	[dreg:$0x1] =	wrdreg $0xFFFFFFFF  }
0xc2: {  	_ =	task.clear_ibuf [dreg:s7], $0x2FFFF;
	_ =	strace $0x9FFFFFFF  }
0xc3: {  	(tm) =	ssettm $0x7FFFFFFF  }
tec
execute0_lowered:
.L_overlay_start_1:
0x0: {  	(tag) =	ssettag $0x1  }
0x1: {  	s5 =	rddreg [dreg:$0x0]  }
0x2: {  	s8 =	rddreg [dreg:$0x1]  }
0x3: {  	s2 =	rddreg [dreg:$0x2];
	s1 =	stileid.u32  }
0x4: {  	s4 =	srdreg.scid;
	s6 =	smul.u32 $0x28, s1  }
0x5: {  	s0 =	rddreg [dreg:$0x3];
	s7 =	sand.u32 $0x1, s4;
	s4 =	smul.u32 $0x78, s1  }
0x6: {  	s3 =	simm.s32 $0x0;
	s13 =	simm.s32 $0x7800;
	s30 =	smul.u32 $0x50000, s1  }
0x7: {  	s14 =	simm.s32 $0x1;
	[smem:$0x7FF] =	sst s3;
	s16 =	smul.u32 $0x2800, s1  }
0x8: {  	s17 =	sshll.u32 s1, $0x6;
	p0 =	seq.s32 s7, $0x0;
	s9 =	smul.u32 $0x28000, s7  }
0x9: {  	_ =	strace $0x8000004A;
	s7 =	ssub.s32 $0x2, s7;
	s6 =	sadd.s32 $0x780, s6  }
0xa: {  	s31 =	sshrl.u32 s7, $0x1;
	s6 =	smov.u32 @p0 s4;
	s4 =	sadd.s32 $0x3F200, s5  }
0xb: {  	s9 =	sadd.s32 s9, s5;
	s12 =	ssub.s32 s7, s31;
	s10 =	sshll.u32 s6, $0x4  }
0xc: {  	s6 =	sshrl.u32 s30, $0x2;
	s15 =	sadd.s32 $0x67200, s9;
	s9 =	smax.u32 s12, $0x1  }
0xd: {  	s12 =	simm.s32 $0x80;
	s11 =	sadd.s32 s10, s5;
	s5 =	sadd.s32 s6, s2  }
0xe: {  	s6 =	simm.s32 $0x78;
	s8 =	sadd.s32 s8, s10;
	s10 =	simm.s32 $0xB800  }
0xf: {  	s15 =	sadd.s32 s16, s15;
	s16 =	sor.u32 $0x1C02, s17;
	s6 =	simm.s32 @!p0 $0x28  }
0x10: {  	v0 =	vimm.f32 $0.0e+00;
	s7 =	sadd.s32 $0xD200, s11;
	s11 =	simm.s32 $0x2;
	s17 =	sshrl.u32 s5, $0x3  }
.LBB2_1:
0x11: {  	[tilespmem:$0xB800] =	vst v0  }
0x12: {  	[tilespmem:$0xB810] =	vst v0  }
0x13: {  	[tilespmem:$0xB820] =	vst v0  }
0x14: {  	[tilespmem:$0xB830] =	vst v0  }
0x15: {  	[tilespmem:$0xB840] =	vst v0  }
0x16: {  	[tilespmem:$0xB850] =	vst v0  }
0x17: {  	[tilespmem:$0xB860] =	vst v0  }
0x18: {  	[tilespmem:$0xB870] =	vst v0  }
0x19: {  	[tilespmem:$0xB880] =	vst v0  }
0x1a: {  	[tilespmem:$0xB890] =	vst v0  }
0x1b: {  	[tilespmem:$0xB8A0] =	vst v0  }
0x1c: {  	[tilespmem:$0xB8B0] =	vst v0  }
0x1d: {  	[tilespmem:$0xB8C0] =	vst v0  }
0x1e: {  	[tilespmem:$0xB8D0] =	vst v0  }
0x1f: {  	[tilespmem:$0xB8E0] =	vst v0  }
0x20: {  	[tilespmem:$0xB8F0] =	vst v0  }
0x21: {  	[tilespmem:$0xB900] =	vst v0  }
0x22: {  	[tilespmem:$0xB910] =	vst v0  }
0x23: {  	[tilespmem:$0xB920] =	vst v0  }
0x24: {  	[tilespmem:$0xB930] =	vst v0  }
0x25: {  	[tilespmem:$0xB940] =	vst v0  }
0x26: {  	[tilespmem:$0xB950] =	vst v0  }
0x27: {  	[tilespmem:$0xB960] =	vst v0  }
0x28: {  	[tilespmem:$0xB970] =	vst v0  }
0x29: {  	[tilespmem:$0xB980] =	vst v0  }
0x2a: {  	[tilespmem:$0xB990] =	vst v0  }
0x2b: {  	[tilespmem:$0xB9A0] =	vst v0  }
0x2c: {  	[tilespmem:$0xB9B0] =	vst v0  }
0x2d: {  	[tilespmem:$0xB9C0] =	vst v0  }
0x2e: {  	[tilespmem:$0xB9D0] =	vst v0  }
0x2f: {  	[tilespmem:$0xB9E0] =	vst v0  }
0x30: {  	[tilespmem:$0xB9F0] =	vst v0  }
0x31: {  	[tilespmem:$0xBA00] =	vst v0  }
0x32: {  	[tilespmem:$0xBA10] =	vst v0  }
0x33: {  	[tilespmem:$0xBA20] =	vst v0  }
0x34: {  	[tilespmem:$0xBA30] =	vst v0  }
0x35: {  	[tilespmem:$0xBA40] =	vst v0  }
0x36: {  	[tilespmem:$0xBA50] =	vst v0  }
0x37: {  	[tilespmem:$0xBA60] =	vst v0  }
0x38: {  	[tilespmem:$0xBA70] =	vst v0  }
0x39: {  	[tilespmem:$0xBA80] =	vst v0  }
0x3a: {  	[tilespmem:$0xBA90] =	vst v0  }
0x3b: {  	[tilespmem:$0xBAA0] =	vst v0  }
0x3c: {  	[tilespmem:$0xBAB0] =	vst v0  }
0x3d: {  	[tilespmem:$0xBAC0] =	vst v0  }
0x3e: {  	[tilespmem:$0xBAD0] =	vst v0  }
0x3f: {  	[tilespmem:$0xBAE0] =	vst v0  }
0x40: {  	[tilespmem:$0xBAF0] =	vst v0  }
0x41: {  	[tilespmem:$0xBB00] =	vst v0  }
0x42: {  	[tilespmem:$0xBB10] =	vst v0  }
0x43: {  	[tilespmem:$0xBB20] =	vst v0  }
0x44: {  	[tilespmem:$0xBB30] =	vst v0  }
0x45: {  	[tilespmem:$0xBB40] =	vst v0  }
0x46: {  	[tilespmem:$0xBB50] =	vst v0  }
0x47: {  	[tilespmem:$0xBB60] =	vst v0  }
0x48: {  	[tilespmem:$0xBB70] =	vst v0  }
0x49: {  	[tilespmem:$0xBB80] =	vst v0  }
0x4a: {  	[tilespmem:$0xBB90] =	vst v0  }
0x4b: {  	[tilespmem:$0xBBA0] =	vst v0  }
0x4c: {  	[tilespmem:$0xBBB0] =	vst v0  }
0x4d: {  	[tilespmem:$0xBBC0] =	vst v0  }
0x4e: {  	[tilespmem:$0xBBD0] =	vst v0  }
0x4f: {  	[tilespmem:$0xBBE0] =	vst v0  }
0x50: {  	[tilespmem:$0xBBF0] =	vst v0;
	s18 =	sadd.s32 $0x0, s5  }
0x51: {  	[spmem:s18] =	stream.linear.scatter [tilespmem:s10], [sflag:$0x2], $0x400, $0x38;
	[tilespmem:$0x1FC00] =	vst v63  }
0x52: {  	s18 =	simm.s32 $0x1000;
	_ =	swait.ge [sflag:s11], $0x400  }
.LBB2_2:
0x53: {  	s19 =	sshra.s32 s18, $0x2;
	[sflag:s11] =	ssyncset.done $0x0;
	p0 =	sne.s32 s18, $0x4F000  }
.Ltmp0:
0x54: {  	s19 =	sadd.s32 s19, s5;
	[sflag:s11] =	ssyncadd.s32 $0xFFFFFC00;
	(pc) =	sbr.rel @p0 .LBB2_2-.Ltmp0, $3  }
0x55: {  	[spmem:s19] =	stream.linear.scatter [tilespmem:s10], [sflag:$0x2], $0x400, $0x38;
	[tilespmem:$0x1FC00] =	vst v63  }
0x56: {  	s18 =	sadd.s32 $0x1000, s18;
	_ =	sdelay $0x1  }
0x57: {  	_ =	swait.ge [sflag:s11], $0x400  }
0x58: {  	[sflag:s11] =	ssyncset.done $0x0  }
0x59: {  	[sflag:s11] =	ssyncadd.s32 $0xFFFFFC00  }
0x5a: {  	s18 =	simm.s32 $0x0;
	[bflag:$0x0] =	sbarrier.arrive $0xFFFF  }
0x5b: {  	[tilespmem:s18], [sflag:$0x2] =	stream.linear.gather [hbm4b:s7+s18], $0x3C00, $0x38;
	[tilespmem:$0x1FC00] =	vst v63  }
0x5c: {  	_ =	swait.ge [sflag:s11], $0x3C00  }
0x5d: {  	[sflag:s11] =	ssyncset.done $0x0  }
0x5e: {  	s19 =	simm.s32 $0x3C00;
	[sflag:s11] =	ssyncadd.s32 $0xFFFFC400  }
0x5f: {  	[tilespmem:s19], [sflag:$0x2] =	stream.linear.gather [hbm4b:s8+s18], $0x3C00, $0x38;
	[tilespmem:$0x1FC00] =	vst v63  }
0x60: {  	_ =	swait.ge [sflag:s11], $0x3C00  }
0x61: {  	[sflag:s11] =	ssyncset.done $0x0  }
0x62: {  	[sflag:s11] =	ssyncadd.s32 $0xFFFFC400  }
0x63: {  	[tilespmem:s13], [sflag:$0x1] =	stream.indirect.gather [hbm4b:s4+s12], $0x80, s18, s12, $0xb8;
	[tilespmem:$0x1FC00] =	vst v63  }
0x64: {  	p0 =	sne.s32 s6, $0x1;
	_ =	swait.ge [sflag:s14], $0x4000  }
.Ltmp1:
0x65: {  	[sflag:s14] =	ssyncset.done $0x0;
	(pc) =	sbr.rel @!p0 .LBB2_5-.Ltmp1, $4  }
0x66: {  	[sflag:s14] =	ssyncadd.s32 $0xFFFFC000  }
0x67: {  	[spmem:s2] =	stream.indirect.scatter.add.f32 [tilespmem:s13], [sflag:$0x2], $0x80, s19, s12, $0xb8;
	[tilespmem:$0x1FC00] =	vst v63  }
0x68: {  	_ =	swait.ge [sflag:s11], $0x4000  }
0x69: {  	s20 =	sadd.s32 $0xFFFFFFFF, s6;
	[sflag:s11] =	ssyncset.done $0x0  }
.LBB2_4:
0x6a: {  	[sflag:s11] =	ssyncadd.s32 $0xFFFFC000;
	s18 =	sadd.s32 $0x80, s18;
	s19 =	sadd.s32 $0x80, s19  }
0x6b: {  	[tilespmem:s13], [sflag:$0x1] =	stream.indirect.gather [hbm4b:s4+s12], $0x80, s18, s12, $0xb8;
	[tilespmem:$0x1FC00] =	vst v63  }
0x6c: {  	p0 =	sne.s32 s20, $0x1;
	s20 =	sadd.s32 $0xFFFFFFFF, s20;
	_ =	swait.ge [sflag:s14], $0x4000  }
.Ltmp2:
0x6d: {  	[sflag:s14] =	ssyncset.done $0x0;
	(pc) =	sbr.rel @p0 .LBB2_4-.Ltmp2, $4  }
0x6e: {  	[sflag:s14] =	ssyncadd.s32 $0xFFFFC000  }
0x6f: {  	[spmem:s2] =	stream.indirect.scatter.add.f32 [tilespmem:s13], [sflag:$0x2], $0x80, s19, s12, $0xb8;
	[tilespmem:$0x1FC00] =	vst v63  }
0x70: {  	_ =	swait.ge [sflag:s11], $0x4000  }
0x71: {  	[sflag:s11] =	ssyncset.done $0x0  }
.LBB2_5:
0x72: {  	s3 =	sadd.s32 $0x1, s3  }
0x73: {  	[sflag:s11] =	ssyncadd.s32 $0xFFFFC000;
	p0 =	sne.s32 s3, s9  }
.Ltmp3:
0x74: {  	[bflag:$0x0] =	sbarrier.arrive $0xFFFF;
	(pc) =	sbr.rel @p0 .LBB2_1-.Ltmp3, $4  }
0x75: {  	[hbm:s15], [sflag:s16] =	dma.local [spmem:s17], $0x2800  }
0x76: {  	_ =	swait.ge [sflag:s11], $0x2800  }
0x77: {  	[sflag:s11] =	ssyncset.done $0x0  }
0x78: {  	[sflag:s11] =	ssyncadd.s32 $0xFFFFD800  }
0x79: {  	_ =	sfence.sel $0x180000  }
0x7a: {  	[bflag:$0x0] =	sbarrier.arrive $0xFFFF  }
0x7b: {  	p0 =	sne.s32 s1, $0x0;
	_ =	strace $0x9000004A  }
0x7c: {  	s0 =	sadd.s32 @!p0 $0x100000, s0;
	[bflag:$0x2] =	sbarrier.arrive $0xFFFF  }
0x7d: {  	[sflag:s0] =	ssyncadd.tile.s32 @!p0 $0x1;
	_ =	shalt  }
.Lfunc_end2:
_tile_overlayer_lowered:
.L_overlay_start_2:
0x7e: {  	(tag) =	ssettag $0x2  }
0x7f: {  	s0 =	rddreg [dreg:$0x0];
	s2 =	stileid.u32  }
0x80: {  	s1 =	rddreg [dreg:$0x1];
	p0 =	sne.s32 s2, $0x0  }
0x81: {  	s3 =	rddreg [dreg:$0x2];
	[bflag:$0x3] =	sbarrier.arrive $0xFFFF;
	s2 =	simm.s32 @!p0 $0x1C02  }
0x82: {  	[timem:s3], [sflag:s2] =	dma.local @!p0 [hbm:s0], s1  }
0x83: {  	s0 =	simm.s32 @!p0 $0x2  }
0x84: {  	_ =	swait.ge @!p0 [sflag:s0], s1  }
0x85: {  	s1 =	ssub.s32 @!p0 $0x0, s1;
	[sflag:s0] =	ssyncset.done @!p0 $0x0  }
0x86: {  	[sflag:s0] =	ssyncadd.s32 @!p0 s1  }
0x87: {  	[bflag:$0x3] =	sbarrier.arrive $0xFFFF  }
0x88: {  	_ =	shalt  }

// kernel: kernel.14.cloned.1.call-start
scs
__scs_entry_jumppad:
0x0: {  	(pc) =	sbr.rel $0x88, $3  }
0x1: {  	(tag) =	ssettag $0x0;
	lr =	simm.s32 $0x1  }
0x2: {  	[smem:$0x3F9B] =	sst lr;
	_ =	strace $0xD0000000  }
0x3: {  	_ = 	snop  }
0x4: {  	_ = 	snop  }
0x5: {  	_ = 	snop  }
0x6: {  	_ = 	snop  }
0x7: {  	_ = 	snop  }
__scs_overlays_trampoline_lowered:
0x8: {  	[smem:$0x3FAA] =	sst s0  }
0x9: {  	[smem:$0x3FAB] =	sst s1  }
0xa: {  	[smem:$0x3FAC] =	sst s2  }
0xb: {  	[smem:$0x3FAD] =	sst s3  }
0xc: {  	[smem:$0x3FAE] =	sst s4  }
0xd: {  	[smem:$0x3FAF] =	sst s5  }
0xe: {  	[smem:$0x3FB0] =	sst s6  }
0xf: {  	[smem:$0x3FB1] =	sst s7  }
0x10: {  	[smem:$0x3FB2] =	sst s8  }
0x11: {  	[smem:$0x3FB3] =	sst s9;
	s0 =	simm.s32 @!p0 $0x0  }
0x12: {  	s1 =	sld [smem:$0x3F99];
	s0 =	simm.s32 @p0 $0x1  }
0x13: {  	[smem:$0x3FB4] =	sst s0;
	s0 =	simm.s32 @!p1 $0x0  }
0x14: {  	s2 =	sld [smem:$0x3F98];
	s0 =	simm.s32 @p1 $0x1  }
0x15: {  	[smem:$0x3FB5] =	sst s0;
	s0 =	simm.s32 @!p2 $0x0  }
0x16: {  	s3 =	sld [smem:$0x3FDB];
	s0 =	simm.s32 @p2 $0x1  }
0x17: {  	s4 =	simm.s32 $0x1BF5;
	[smem:$0x3FB7] =	sst s0  }
0x18: {  	s0 =	sld [smem:$0x3F9A];
	_ =	swait.ge [sflag:s4], $0x0  }
0x19: {  	s7 =	sld [smem:$0x3F9B]  }
0x1a: {  	s8 =	sadd.s32 $0xFFFFE003, lr  }
0x1b: {  	s9 =	sadd.s32 $0xFFFFFEF7, lr;
	s5 =	simm.s32 $0xFFFFFFFF;
	p2 =	slt.u32 s8, $0xFFFFF086  }
0x1c: {  	p1 =	slt.u32 s9, $0xF7A;
	s5 =	simm.s32 @!p2 $0x0  }
0x1d: {  	s5 =	simm.s32 @p1 $0x1;
	p0 =	seq.s32 s7, s2  }
0x1e: {  	s7 =	smul.u32 @!p0 $0xF7A, s2;
	p2 =	seq.s32 @!p0 s5, $0x0  }
0x1f: {  	s9 =	smul.u32 $0xF7A, s1;
	s8 =	simm.s32 @!p0 $0x1BF5;
	p2 =	por !p2, p0  }
0x20: {  	[sflag:s8] =	ssyncset.s32 @!p0 $0xFFFFF086;
	s6 =	sadd.s32 @!p0 s3, s7;
	s7 =	simm.s32 @!p0 $0x108  }
0x21: {  	s3 =	sadd.s32 s3, s9;
	s6 =	sadd.s32 @!p0 $0x88, s6;
	s7 =	simm.s32 @p2 $0x1082  }
0x22: {  	[simem:s7], [sflag:s8] =	dma.local @!p0 [hbm:s6], $0xF7A  }
0x23: {  	s9 =	sor.u32 $0xD0000000, s2;
	s6 =	simm.s32 $0x108;
	_ =	swait.ge @!p0 [sflag:s8], $0x0  }
0x24: {  	s3 =	sadd.s32 $0x88, s3;
	s6 =	simm.s32 @!p1 $0x1082;
	[sflag:s4] =	ssyncset.s32 $0xFFFFF086  }
0x25: {  	[simem:s6], [sflag:s4] =	dma.local [hbm:s3], $0xF7A  }
0x26: {  	[smem:$0x3F9B] =	sst s1;
	(tag) =	ssettag s2;
	_ =	strace s9  }
0x27: {  	s1 =	sld [smem:$0x3FAB]  }
0x28: {  	s2 =	sld [smem:$0x3FAC]  }
0x29: {  	s4 =	sld [smem:$0x3FAE]  }
0x2a: {  	p0 =	seq.s32 s5, $0x0;
	s5 =	sld [smem:$0x3FAF]  }
0x2b: {  	s6 =	sld [smem:$0x3FB0]  }
0x2c: {  	s7 =	sld [smem:$0x3FB1]  }
0x2d: {  	s3 =	simm.s32 $0x108;
	s8 =	sld [smem:$0x3FB2]  }
0x2e: {  	s3 =	simm.s32 @!p0 $0x1082;
	s9 =	sld [smem:$0x3FB3]  }
0x2f: {  	lr =	sadd.s32 s0, s3;
	s0 =	sld [smem:$0x3FAA]  }
0x30: {  	s3 =	sld [smem:$0x3FAD]  }
0x31: {  	[smem:$0x3FB6] =	sst s10  }
0x32: {  	s10 =	sld [smem:$0x3FB4];
	_ =	sdelay $0x3  }
0x33: {  	p0 =	seq.s32 s10, $0x1;
	s10 =	sld [smem:$0x3FB6];
	_ =	sdelay $0x3  }
0x34: {  	[smem:$0x3FB6] =	sst s10  }
0x35: {  	s10 =	sld [smem:$0x3FB5];
	_ =	sdelay $0x3  }
0x36: {  	p1 =	seq.s32 s10, $0x1;
	s10 =	sld [smem:$0x3FB6];
	_ =	sdelay $0x3  }
0x37: {  	[smem:$0x3FB6] =	sst s10  }
0x38: {  	s10 =	sld [smem:$0x3FB7]  }
0x39: {  	_ = 	snop;
	(pc) =	sbr.ind lr, $3  }
0x3a: {  	_ = 	snop  }
0x3b: {  	_ = 	snop  }
0x3c: {  	p2 =	seq.s32 s10, $0x1;
	s10 =	sld [smem:$0x3FB6]  }
0x3d: {  	_ =	shalt  }
0x3e: {  	_ =	shalt  }
0x3f: {  	_ =	shalt  }
0x40: {  	_ =	shalt  }
0x41: {  	_ =	shalt  }
0x42: {  	_ =	shalt  }
0x43: {  	_ =	shalt  }
0x44: {  	_ =	shalt  }
0x45: {  	_ =	shalt  }
0x46: {  	_ =	shalt  }
0x47: {  	_ =	shalt  }
0x48: {  	_ =	shalt  }
0x49: {  	_ =	shalt  }
0x4a: {  	_ =	shalt  }
0x4b: {  	_ =	shalt  }
0x4c: {  	_ =	shalt  }
0x4d: {  	_ =	shalt  }
0x4e: {  	_ =	shalt  }
0x4f: {  	_ =	shalt  }
0x50: {  	_ =	shalt  }
0x51: {  	_ =	shalt  }
0x52: {  	_ =	shalt  }
0x53: {  	_ =	shalt  }
0x54: {  	_ =	shalt  }
0x55: {  	_ =	shalt  }
0x56: {  	_ =	shalt  }
0x57: {  	_ =	shalt  }
0x58: {  	_ =	shalt  }
0x59: {  	_ =	shalt  }
0x5a: {  	_ =	shalt  }
0x5b: {  	_ =	shalt  }
0x5c: {  	_ =	shalt  }
0x5d: {  	_ =	shalt  }
0x5e: {  	_ =	shalt  }
0x5f: {  	_ =	shalt  }
0x60: {  	_ =	shalt  }
0x61: {  	_ =	shalt  }
0x62: {  	_ =	shalt  }
0x63: {  	_ =	shalt  }
0x64: {  	_ =	shalt  }
0x65: {  	_ =	shalt  }
0x66: {  	_ =	shalt  }
0x67: {  	_ =	shalt  }
0x68: {  	_ =	shalt  }
0x69: {  	_ =	shalt  }
0x6a: {  	_ =	shalt  }
0x6b: {  	_ =	shalt  }
0x6c: {  	_ =	shalt  }
0x6d: {  	_ =	shalt  }
0x6e: {  	_ =	shalt  }
0x6f: {  	_ =	shalt  }
0x70: {  	_ =	shalt  }
0x71: {  	_ =	shalt  }
0x72: {  	_ =	shalt  }
0x73: {  	_ =	shalt  }
0x74: {  	_ =	shalt  }
0x75: {  	_ =	shalt  }
0x76: {  	_ =	shalt  }
0x77: {  	_ =	shalt  }
0x78: {  	_ =	shalt  }
0x79: {  	_ =	shalt  }
0x7a: {  	_ =	shalt  }
0x7b: {  	_ =	shalt  }
0x7c: {  	_ =	shalt  }
0x7d: {  	_ =	shalt  }
0x7e: {  	_ =	shalt  }
0x7f: {  	_ =	shalt  }
0x80: {  	_ =	shalt  }
0x81: {  	_ =	shalt  }
0x82: {  	_ =	shalt  }
0x83: {  	_ =	shalt  }
0x84: {  	_ =	shalt  }
0x85: {  	_ =	shalt  }
0x86: {  	_ =	shalt  }
0x87: {  	_ =	shalt  }
.Lfunc_end0:
.L_simem_size_0:
called_computation.2_lowered:
.L_overlay_start_0:
0x88: {  	s2 =	sld [smem:$0x3FD9]  }
0x89: {  	s3 =	sld [smem:$0x3FFE];
	_ =	sdelay $0x1  }
0x8a: {  	s1 =	srdreg.scid  }
0x8b: {  	s0 =	sand.u32 $0x1, s1  }
0x8c: {  	s17 =	sshll.u32 s0, $0xA;
	s2 =	sadd.s32 s3, s2  }
0x8d: {  	s2 =	sadd.s32 s2, s17  }
0x8e: {  	[smem:$0x3FC2] =	sst s2  }
0x8f: {  	_ = 	snop  }
0x90: {  	s2 =	sld [smem:$0x3FD0];
	(tm) =	ssettm $0x1  }
0x91: {  	s18 =	sld [smem:$0x3FFB];
	_ =	sdelay $0x3  }
0x92: {  	_ =	strace s18  }
0x93: {  	s3 =	sld [smem:$0x3FFC];
	_ =	sdelay $0x3  }
0x94: {  	_ =	strace s3  }
0x95: {  	s3 =	sld [smem:$0x3FFD];
	_ =	sdelay $0x3  }
0x96: {  	_ =	strace s3  }
0x97: {  	_ =	strace $0x8FFFFFFF  }
0x98: {  	s19 =	sld [smem:$0x3FDB];
	_ =	sdelay $0x1  }
0x99: {  	s4 =	simm.s32 $_scs_section_size  }
0x9a: {  	s5 =	simm.s32 $_size__tile_overlayer_lowered;
	s6 =	simm.s32 $_tile_overlayer_lowered  }
0x9b: {  	s22 =	simm.s32 $0x1BFF;
	s21 =	sshll.u32 s6, $0x1;
	s3 =	sadd.s32 s4, s19  }
0x9c: {  	s7 =	simm.s32 $0x0;
	s20 =	sshll.u32 s5, $0x1;
	s5 =	sadd.s32 s21, s3  }
0x9d: {  	[timem:s7], [sflag:s22] =	dma.local [hbm:s5], s20  }
0x9e: {  	_ =	swait.ge [sflag:s22], s20  }
0x9f: {  	s4 =	ssub.s32 $0x0, s20;
	[sflag:s22] =	ssyncset.done $0x0  }
0xa0: {  	[sflag:s22] =	ssyncadd.s32 s4;
	_ =	sdelay $0x1  }
0xa1: {  	s23 =	simm.s32 $0x1B8B  }
0xa2: {  	_ =	swait.ge [sflag:s23], $0x1  }
0xa3: {  	[sflag:s23] =	ssyncset.done $0x0  }
0xa4: {  	s25 =	simm.s32 $0x1B8E;
	s24 =	sld [smem:$0x3FFE];
	[sflag:s23] =	ssyncadd.s32 $0xFFFFFFFF  }
0xa5: {  	s26 =	simm.s32 $execute0_lowered;
	[smem:$0x3FD2] =	sst s25  }
0xa6: {  	s5 =	sshll.u32 s26, $0x1;
	_ =	strace $0x8000004C;
	[dreg:$0x1] =	wrdreg $0xFFFFFFFF  }
0xa7: {  	s28 =	simm.s32 $_size_execute0_lowered;
	s3 =	sadd.s32 s3, s5;
	[dreg:$0x0] =	wrdreg $0x0  }
0xa8: {  	s5 =	sshll.u32 s28, $0x1;
	[dreg:$0x2] =	wrdreg s3  }
0xa9: {  	[dreg:$0x3] =	wrdreg s5  }
0xaa: {  	[dreg:$0x4] =	wrdreg $0xC0  }
0xab: {  	_ =	task [dreg:s7], $0x5FFFF  }
0xac: {  	[dreg:$0x1] =	wrdreg $0xFFFFFFFF  }
0xad: {  	[dreg:$0x0] =	wrdreg $0x60  }
0xae: {  	[dreg:$0x2] =	wrdreg s24  }
0xaf: {  	[dreg:$0x3] =	wrdreg s2  }
0xb0: {  	[dreg:$0x4] =	wrdreg $0xBC000  }
0xb1: {  	[dreg:$0x5] =	wrdreg $0x9  }
0xb2: {  	_ =	task.clear_ibuf [dreg:s7], $0x6FFFF;
	_ =	strace $0x9000004C  }
0xb3: {  	s29 =	simm.s32 $0x9;
	_ =	strace $0x8000004E  }
0xb4: {  	_ =	swait.ge [sflag:s29], $0x1  }
0xb5: {  	[sflag:s29] =	ssyncadd.s32 $0xFFFFFFFF  }
0xb6: {  	_ =	strace $0x9000004E  }
0xb7: {  	_ =	sfence  }
0xb8: {  	s30 =	sld [smem:$0x0];
	_ =	sdelay $0x2  }
0xb9: {  	s31 =	sshll.u32 s1, $0xD;
	s1 =	sshrl.u32 s1, $0x2  }
0xba: {  	s3 =	sand.u32 $0x4000, s31;
	s1 =	sadd.s32 s1, s30  }
0xbb: {  	s0 =	sor.u32 s3, s0;
	s1 =	sshll.u32 s1, $0x11  }
0xbc: {  	s0 =	sor.u32 s1, s0  }
0xbd: {  	s0 =	sadd.s32 $0x8F2B, s0  }
0xbe: {  	[sflag:s0] =	ssyncadd.remote.s32 $0x1  }
0xbf: {  	_ =	sfence.sel $0xFFFF  }
0xc0: {  	[dreg:$0x0] =	wrdreg $0xFFFFFFFF;
	(pc) =	sbr.abs _section_cstart, $3  }
0xc1: {  	[dreg:$0x1] =	wrdreg $0xFFFFFFFF  }
0xc2: {  	_ =	task.clear_ibuf [dreg:s7], $0x2FFFF;
	_ =	strace $0x9FFFFFFF  }
0xc3: {  	(tm) =	ssettm $0x7FFFFFFF  }
tec
execute0_lowered:
.L_overlay_start_1:
0x0: {  	(tag) =	ssettag $0x1  }
0x1: {  	s5 =	rddreg [dreg:$0x0]  }
0x2: {  	s8 =	rddreg [dreg:$0x1]  }
0x3: {  	s2 =	rddreg [dreg:$0x2];
	s1 =	stileid.u32  }
0x4: {  	s4 =	srdreg.scid;
	s6 =	smul.u32 $0x28, s1  }
0x5: {  	s0 =	rddreg [dreg:$0x3];
	s7 =	sand.u32 $0x1, s4;
	s4 =	smul.u32 $0x78, s1  }
0x6: {  	s3 =	simm.s32 $0x0;
	s13 =	simm.s32 $0x7800;
	s30 =	smul.u32 $0x50000, s1  }
0x7: {  	s14 =	simm.s32 $0x1;
	[smem:$0x7FF] =	sst s3;
	s16 =	smul.u32 $0x2800, s1  }
0x8: {  	s17 =	sshll.u32 s1, $0x6;
	p0 =	seq.s32 s7, $0x0;
	s9 =	smul.u32 $0x28000, s7  }
0x9: {  	_ =	strace $0x8000004D;
	s7 =	ssub.s32 $0x2, s7;
	s6 =	sadd.s32 $0x780, s6  }
0xa: {  	s31 =	sshrl.u32 s7, $0x1;
	s6 =	smov.u32 @p0 s4;
	s4 =	sadd.s32 $0x3F200, s5  }
0xb: {  	s9 =	sadd.s32 s9, s5;
	s12 =	ssub.s32 s7, s31;
	s10 =	sshll.u32 s6, $0x4  }
0xc: {  	s6 =	sshrl.u32 s30, $0x2;
	s15 =	sadd.s32 $0x67200, s9;
	s9 =	smax.u32 s12, $0x1  }
0xd: {  	s12 =	simm.s32 $0x80;
	s11 =	sadd.s32 s10, s5;
	s5 =	sadd.s32 s6, s2  }
0xe: {  	s6 =	simm.s32 $0x78;
	s8 =	sadd.s32 s8, s10;
	s10 =	simm.s32 $0xB800  }
0xf: {  	s15 =	sadd.s32 s16, s15;
	s16 =	sor.u32 $0x1C02, s17;
	s6 =	simm.s32 @!p0 $0x28  }
0x10: {  	v0 =	vimm.f32 $0.0e+00;
	s7 =	sadd.s32 $0xD200, s11;
	s11 =	simm.s32 $0x2;
	s17 =	sshrl.u32 s5, $0x3  }
.LBB2_1:
0x11: {  	[tilespmem:$0xB800] =	vst v0  }
0x12: {  	[tilespmem:$0xB810] =	vst v0  }
0x13: {  	[tilespmem:$0xB820] =	vst v0  }
0x14: {  	[tilespmem:$0xB830] =	vst v0  }
0x15: {  	[tilespmem:$0xB840] =	vst v0  }
0x16: {  	[tilespmem:$0xB850] =	vst v0  }
0x17: {  	[tilespmem:$0xB860] =	vst v0  }
0x18: {  	[tilespmem:$0xB870] =	vst v0  }
0x19: {  	[tilespmem:$0xB880] =	vst v0  }
0x1a: {  	[tilespmem:$0xB890] =	vst v0  }
0x1b: {  	[tilespmem:$0xB8A0] =	vst v0  }
0x1c: {  	[tilespmem:$0xB8B0] =	vst v0  }
0x1d: {  	[tilespmem:$0xB8C0] =	vst v0  }
0x1e: {  	[tilespmem:$0xB8D0] =	vst v0  }
0x1f: {  	[tilespmem:$0xB8E0] =	vst v0  }
0x20: {  	[tilespmem:$0xB8F0] =	vst v0  }
0x21: {  	[tilespmem:$0xB900] =	vst v0  }
0x22: {  	[tilespmem:$0xB910] =	vst v0  }
0x23: {  	[tilespmem:$0xB920] =	vst v0  }
0x24: {  	[tilespmem:$0xB930] =	vst v0  }
0x25: {  	[tilespmem:$0xB940] =	vst v0  }
0x26: {  	[tilespmem:$0xB950] =	vst v0  }
0x27: {  	[tilespmem:$0xB960] =	vst v0  }
0x28: {  	[tilespmem:$0xB970] =	vst v0  }
0x29: {  	[tilespmem:$0xB980] =	vst v0  }
0x2a: {  	[tilespmem:$0xB990] =	vst v0  }
0x2b: {  	[tilespmem:$0xB9A0] =	vst v0  }
0x2c: {  	[tilespmem:$0xB9B0] =	vst v0  }
0x2d: {  	[tilespmem:$0xB9C0] =	vst v0  }
0x2e: {  	[tilespmem:$0xB9D0] =	vst v0  }
0x2f: {  	[tilespmem:$0xB9E0] =	vst v0  }
0x30: {  	[tilespmem:$0xB9F0] =	vst v0  }
0x31: {  	[tilespmem:$0xBA00] =	vst v0  }
0x32: {  	[tilespmem:$0xBA10] =	vst v0  }
0x33: {  	[tilespmem:$0xBA20] =	vst v0  }
0x34: {  	[tilespmem:$0xBA30] =	vst v0  }
0x35: {  	[tilespmem:$0xBA40] =	vst v0  }
0x36: {  	[tilespmem:$0xBA50] =	vst v0  }
0x37: {  	[tilespmem:$0xBA60] =	vst v0  }
0x38: {  	[tilespmem:$0xBA70] =	vst v0  }
0x39: {  	[tilespmem:$0xBA80] =	vst v0  }
0x3a: {  	[tilespmem:$0xBA90] =	vst v0  }
0x3b: {  	[tilespmem:$0xBAA0] =	vst v0  }
0x3c: {  	[tilespmem:$0xBAB0] =	vst v0  }
0x3d: {  	[tilespmem:$0xBAC0] =	vst v0  }
0x3e: {  	[tilespmem:$0xBAD0] =	vst v0  }
0x3f: {  	[tilespmem:$0xBAE0] =	vst v0  }
0x40: {  	[tilespmem:$0xBAF0] =	vst v0  }
0x41: {  	[tilespmem:$0xBB00] =	vst v0  }
0x42: {  	[tilespmem:$0xBB10] =	vst v0  }
0x43: {  	[tilespmem:$0xBB20] =	vst v0  }
0x44: {  	[tilespmem:$0xBB30] =	vst v0  }
0x45: {  	[tilespmem:$0xBB40] =	vst v0  }
0x46: {  	[tilespmem:$0xBB50] =	vst v0  }
0x47: {  	[tilespmem:$0xBB60] =	vst v0  }
0x48: {  	[tilespmem:$0xBB70] =	vst v0  }
0x49: {  	[tilespmem:$0xBB80] =	vst v0  }
0x4a: {  	[tilespmem:$0xBB90] =	vst v0  }
0x4b: {  	[tilespmem:$0xBBA0] =	vst v0  }
0x4c: {  	[tilespmem:$0xBBB0] =	vst v0  }
0x4d: {  	[tilespmem:$0xBBC0] =	vst v0  }
0x4e: {  	[tilespmem:$0xBBD0] =	vst v0  }
0x4f: {  	[tilespmem:$0xBBE0] =	vst v0  }
0x50: {  	[tilespmem:$0xBBF0] =	vst v0;
	s18 =	sadd.s32 $0x0, s5  }
0x51: {  	[spmem:s18] =	stream.linear.scatter [tilespmem:s10], [sflag:$0x2], $0x400, $0x38;
	[tilespmem:$0x1FC00] =	vst v63  }
0x52: {  	s18 =	simm.s32 $0x1000;
	_ =	swait.ge [sflag:s11], $0x400  }
.LBB2_2:
0x53: {  	s19 =	sshra.s32 s18, $0x2;
	[sflag:s11] =	ssyncset.done $0x0;
	p0 =	sne.s32 s18, $0x4F000  }
.Ltmp0:
0x54: {  	s19 =	sadd.s32 s19, s5;
	[sflag:s11] =	ssyncadd.s32 $0xFFFFFC00;
	(pc) =	sbr.rel @p0 .LBB2_2-.Ltmp0, $3  }
0x55: {  	[spmem:s19] =	stream.linear.scatter [tilespmem:s10], [sflag:$0x2], $0x400, $0x38;
	[tilespmem:$0x1FC00] =	vst v63  }
0x56: {  	s18 =	sadd.s32 $0x1000, s18;
	_ =	sdelay $0x1  }
0x57: {  	_ =	swait.ge [sflag:s11], $0x400  }
0x58: {  	[sflag:s11] =	ssyncset.done $0x0  }
0x59: {  	[sflag:s11] =	ssyncadd.s32 $0xFFFFFC00  }
0x5a: {  	s18 =	simm.s32 $0x0;
	[bflag:$0x0] =	sbarrier.arrive $0xFFFF  }
0x5b: {  	[tilespmem:s18], [sflag:$0x2] =	stream.linear.gather [hbm4b:s7+s18], $0x3C00, $0x38;
	[tilespmem:$0x1FC00] =	vst v63  }
0x5c: {  	_ =	swait.ge [sflag:s11], $0x3C00  }
0x5d: {  	[sflag:s11] =	ssyncset.done $0x0  }
0x5e: {  	s19 =	simm.s32 $0x3C00;
	[sflag:s11] =	ssyncadd.s32 $0xFFFFC400  }
0x5f: {  	[tilespmem:s19], [sflag:$0x2] =	stream.linear.gather [hbm4b:s8+s18], $0x3C00, $0x38;
	[tilespmem:$0x1FC00] =	vst v63  }
0x60: {  	_ =	swait.ge [sflag:s11], $0x3C00  }
0x61: {  	[sflag:s11] =	ssyncset.done $0x0  }
0x62: {  	[sflag:s11] =	ssyncadd.s32 $0xFFFFC400  }
0x63: {  	[tilespmem:s13], [sflag:$0x1] =	stream.indirect.gather [hbm4b:s4+s12], $0x80, s18, s12, $0xb8;
	[tilespmem:$0x1FC00] =	vst v63  }
0x64: {  	p0 =	sne.s32 s6, $0x1;
	_ =	swait.ge [sflag:s14], $0x4000  }
.Ltmp1:
0x65: {  	[sflag:s14] =	ssyncset.done $0x0;
	(pc) =	sbr.rel @!p0 .LBB2_5-.Ltmp1, $4  }
0x66: {  	[sflag:s14] =	ssyncadd.s32 $0xFFFFC000  }
0x67: {  	[spmem:s2] =	stream.indirect.scatter.add.f32 [tilespmem:s13], [sflag:$0x2], $0x80, s19, s12, $0xb8;
	[tilespmem:$0x1FC00] =	vst v63  }
0x68: {  	_ =	swait.ge [sflag:s11], $0x4000  }
0x69: {  	s20 =	sadd.s32 $0xFFFFFFFF, s6;
	[sflag:s11] =	ssyncset.done $0x0  }
.LBB2_4:
0x6a: {  	[sflag:s11] =	ssyncadd.s32 $0xFFFFC000;
	s18 =	sadd.s32 $0x80, s18;
	s19 =	sadd.s32 $0x80, s19  }
0x6b: {  	[tilespmem:s13], [sflag:$0x1] =	stream.indirect.gather [hbm4b:s4+s12], $0x80, s18, s12, $0xb8;
	[tilespmem:$0x1FC00] =	vst v63  }
0x6c: {  	p0 =	sne.s32 s20, $0x1;
	s20 =	sadd.s32 $0xFFFFFFFF, s20;
	_ =	swait.ge [sflag:s14], $0x4000  }
.Ltmp2:
0x6d: {  	[sflag:s14] =	ssyncset.done $0x0;
	(pc) =	sbr.rel @p0 .LBB2_4-.Ltmp2, $4  }
0x6e: {  	[sflag:s14] =	ssyncadd.s32 $0xFFFFC000  }
0x6f: {  	[spmem:s2] =	stream.indirect.scatter.add.f32 [tilespmem:s13], [sflag:$0x2], $0x80, s19, s12, $0xb8;
	[tilespmem:$0x1FC00] =	vst v63  }
0x70: {  	_ =	swait.ge [sflag:s11], $0x4000  }
0x71: {  	[sflag:s11] =	ssyncset.done $0x0  }
.LBB2_5:
0x72: {  	s3 =	sadd.s32 $0x1, s3  }
0x73: {  	[sflag:s11] =	ssyncadd.s32 $0xFFFFC000;
	p0 =	sne.s32 s3, s9  }
.Ltmp3:
0x74: {  	[bflag:$0x0] =	sbarrier.arrive $0xFFFF;
	(pc) =	sbr.rel @p0 .LBB2_1-.Ltmp3, $4  }
0x75: {  	[hbm:s15], [sflag:s16] =	dma.local [spmem:s17], $0x2800  }
0x76: {  	_ =	swait.ge [sflag:s11], $0x2800  }
0x77: {  	[sflag:s11] =	ssyncset.done $0x0  }
0x78: {  	[sflag:s11] =	ssyncadd.s32 $0xFFFFD800  }
0x79: {  	_ =	sfence.sel $0x180000  }
0x7a: {  	[bflag:$0x0] =	sbarrier.arrive $0xFFFF  }
0x7b: {  	p0 =	sne.s32 s1, $0x0;
	_ =	strace $0x9000004D  }
0x7c: {  	s0 =	sadd.s32 @!p0 $0x100000, s0;
	[bflag:$0x2] =	sbarrier.arrive $0xFFFF  }
0x7d: {  	[sflag:s0] =	ssyncadd.tile.s32 @!p0 $0x1;
	_ =	shalt  }
.Lfunc_end2:
_tile_overlayer_lowered:
.L_overlay_start_2:
0x7e: {  	(tag) =	ssettag $0x2  }
0x7f: {  	s0 =	rddreg [dreg:$0x0];
	s2 =	stileid.u32  }
0x80: {  	s1 =	rddreg [dreg:$0x1];
	p0 =	sne.s32 s2, $0x0  }
0x81: {  	s3 =	rddreg [dreg:$0x2];
	[bflag:$0x3] =	sbarrier.arrive $0xFFFF;
	s2 =	simm.s32 @!p0 $0x1C02  }
0x82: {  	[timem:s3], [sflag:s2] =	dma.local @!p0 [hbm:s0], s1  }
0x83: {  	s0 =	simm.s32 @!p0 $0x2  }
0x84: {  	_ =	swait.ge @!p0 [sflag:s0], s1  }
0x85: {  	s1 =	ssub.s32 @!p0 $0x0, s1;
	[sflag:s0] =	ssyncset.done @!p0 $0x0  }
0x86: {  	[sflag:s0] =	ssyncadd.s32 @!p0 s1  }
0x87: {  	[bflag:$0x3] =	sbarrier.arrive $0xFFFF  }
0x88: {  	_ =	shalt  }

// kernel: kernel.8.cloned.1.call-start
scs
__scs_entry_jumppad:
0x0: {  	(pc) =	sbr.rel $0x88, $3  }
0x1: {  	(tag) =	ssettag $0x0;
	lr =	simm.s32 $0x1  }
0x2: {  	[smem:$0x3F9B] =	sst lr;
	_ =	strace $0xD0000000  }
0x3: {  	_ = 	snop  }
0x4: {  	_ = 	snop  }
0x5: {  	_ = 	snop  }
0x6: {  	_ = 	snop  }
0x7: {  	_ = 	snop  }
__scs_overlays_trampoline_lowered:
0x8: {  	[smem:$0x3FAA] =	sst s0  }
0x9: {  	[smem:$0x3FAB] =	sst s1  }
0xa: {  	[smem:$0x3FAC] =	sst s2  }
0xb: {  	[smem:$0x3FAD] =	sst s3  }
0xc: {  	[smem:$0x3FAE] =	sst s4  }
0xd: {  	[smem:$0x3FAF] =	sst s5  }
0xe: {  	[smem:$0x3FB0] =	sst s6  }
0xf: {  	[smem:$0x3FB1] =	sst s7  }
0x10: {  	[smem:$0x3FB2] =	sst s8  }
0x11: {  	[smem:$0x3FB3] =	sst s9;
	s0 =	simm.s32 @!p0 $0x0  }
0x12: {  	s1 =	sld [smem:$0x3F99];
	s0 =	simm.s32 @p0 $0x1  }
0x13: {  	[smem:$0x3FB4] =	sst s0;
	s0 =	simm.s32 @!p1 $0x0  }
0x14: {  	s2 =	sld [smem:$0x3F98];
	s0 =	simm.s32 @p1 $0x1  }
0x15: {  	[smem:$0x3FB5] =	sst s0;
	s0 =	simm.s32 @!p2 $0x0  }
0x16: {  	s3 =	sld [smem:$0x3FDB];
	s0 =	simm.s32 @p2 $0x1  }
0x17: {  	s4 =	simm.s32 $0x1BF5;
	[smem:$0x3FB7] =	sst s0  }
0x18: {  	s0 =	sld [smem:$0x3F9A];
	_ =	swait.ge [sflag:s4], $0x0  }
0x19: {  	s7 =	sld [smem:$0x3F9B]  }
0x1a: {  	s8 =	sadd.s32 $0xFFFFE003, lr  }
0x1b: {  	s9 =	sadd.s32 $0xFFFFFEF7, lr;
	s5 =	simm.s32 $0xFFFFFFFF;
	p2 =	slt.u32 s8, $0xFFFFF086  }
0x1c: {  	p1 =	slt.u32 s9, $0xF7A;
	s5 =	simm.s32 @!p2 $0x0  }
0x1d: {  	s5 =	simm.s32 @p1 $0x1;
	p0 =	seq.s32 s7, s2  }
0x1e: {  	s7 =	smul.u32 @!p0 $0xF7A, s2;
	p2 =	seq.s32 @!p0 s5, $0x0  }
0x1f: {  	s9 =	smul.u32 $0xF7A, s1;
	s8 =	simm.s32 @!p0 $0x1BF5;
	p2 =	por !p2, p0  }
0x20: {  	[sflag:s8] =	ssyncset.s32 @!p0 $0xFFFFF086;
	s6 =	sadd.s32 @!p0 s3, s7;
	s7 =	simm.s32 @!p0 $0x108  }
0x21: {  	s3 =	sadd.s32 s3, s9;
	s6 =	sadd.s32 @!p0 $0x88, s6;
	s7 =	simm.s32 @p2 $0x1082  }
0x22: {  	[simem:s7], [sflag:s8] =	dma.local @!p0 [hbm:s6], $0xF7A  }
0x23: {  	s9 =	sor.u32 $0xD0000000, s2;
	s6 =	simm.s32 $0x108;
	_ =	swait.ge @!p0 [sflag:s8], $0x0  }
0x24: {  	s3 =	sadd.s32 $0x88, s3;
	s6 =	simm.s32 @!p1 $0x1082;
	[sflag:s4] =	ssyncset.s32 $0xFFFFF086  }
0x25: {  	[simem:s6], [sflag:s4] =	dma.local [hbm:s3], $0xF7A  }
0x26: {  	[smem:$0x3F9B] =	sst s1;
	(tag) =	ssettag s2;
	_ =	strace s9  }
0x27: {  	s1 =	sld [smem:$0x3FAB]  }
0x28: {  	s2 =	sld [smem:$0x3FAC]  }
0x29: {  	s4 =	sld [smem:$0x3FAE]  }
0x2a: {  	p0 =	seq.s32 s5, $0x0;
	s5 =	sld [smem:$0x3FAF]  }
0x2b: {  	s6 =	sld [smem:$0x3FB0]  }
0x2c: {  	s7 =	sld [smem:$0x3FB1]  }
0x2d: {  	s3 =	simm.s32 $0x108;
	s8 =	sld [smem:$0x3FB2]  }
0x2e: {  	s3 =	simm.s32 @!p0 $0x1082;
	s9 =	sld [smem:$0x3FB3]  }
0x2f: {  	lr =	sadd.s32 s0, s3;
	s0 =	sld [smem:$0x3FAA]  }
0x30: {  	s3 =	sld [smem:$0x3FAD]  }
0x31: {  	[smem:$0x3FB6] =	sst s10  }
0x32: {  	s10 =	sld [smem:$0x3FB4];
	_ =	sdelay $0x3  }
0x33: {  	p0 =	seq.s32 s10, $0x1;
	s10 =	sld [smem:$0x3FB6];
	_ =	sdelay $0x3  }
0x34: {  	[smem:$0x3FB6] =	sst s10  }
0x35: {  	s10 =	sld [smem:$0x3FB5];
	_ =	sdelay $0x3  }
0x36: {  	p1 =	seq.s32 s10, $0x1;
	s10 =	sld [smem:$0x3FB6];
	_ =	sdelay $0x3  }
0x37: {  	[smem:$0x3FB6] =	sst s10  }
0x38: {  	s10 =	sld [smem:$0x3FB7]  }
0x39: {  	_ = 	snop;
	(pc) =	sbr.ind lr, $3  }
0x3a: {  	_ = 	snop  }
0x3b: {  	_ = 	snop  }
0x3c: {  	p2 =	seq.s32 s10, $0x1;
	s10 =	sld [smem:$0x3FB6]  }
0x3d: {  	_ =	shalt  }
0x3e: {  	_ =	shalt  }
0x3f: {  	_ =	shalt  }
0x40: {  	_ =	shalt  }
0x41: {  	_ =	shalt  }
0x42: {  	_ =	shalt  }
0x43: {  	_ =	shalt  }
0x44: {  	_ =	shalt  }
0x45: {  	_ =	shalt  }
0x46: {  	_ =	shalt  }
0x47: {  	_ =	shalt  }
0x48: {  	_ =	shalt  }
0x49: {  	_ =	shalt  }
0x4a: {  	_ =	shalt  }
0x4b: {  	_ =	shalt  }
0x4c: {  	_ =	shalt  }
0x4d: {  	_ =	shalt  }
0x4e: {  	_ =	shalt  }
0x4f: {  	_ =	shalt  }
0x50: {  	_ =	shalt  }
0x51: {  	_ =	shalt  }
0x52: {  	_ =	shalt  }
0x53: {  	_ =	shalt  }
0x54: {  	_ =	shalt  }
0x55: {  	_ =	shalt  }
0x56: {  	_ =	shalt  }
0x57: {  	_ =	shalt  }
0x58: {  	_ =	shalt  }
0x59: {  	_ =	shalt  }
0x5a: {  	_ =	shalt  }
0x5b: {  	_ =	shalt  }
0x5c: {  	_ =	shalt  }
0x5d: {  	_ =	shalt  }
0x5e: {  	_ =	shalt  }
0x5f: {  	_ =	shalt  }
0x60: {  	_ =	shalt  }
0x61: {  	_ =	shalt  }
0x62: {  	_ =	shalt  }
0x63: {  	_ =	shalt  }
0x64: {  	_ =	shalt  }
0x65: {  	_ =	shalt  }
0x66: {  	_ =	shalt  }
0x67: {  	_ =	shalt  }
0x68: {  	_ =	shalt  }
0x69: {  	_ =	shalt  }
0x6a: {  	_ =	shalt  }
0x6b: {  	_ =	shalt  }
0x6c: {  	_ =	shalt  }
0x6d: {  	_ =	shalt  }
0x6e: {  	_ =	shalt  }
0x6f: {  	_ =	shalt  }
0x70: {  	_ =	shalt  }
0x71: {  	_ =	shalt  }
0x72: {  	_ =	shalt  }
0x73: {  	_ =	shalt  }
0x74: {  	_ =	shalt  }
0x75: {  	_ =	shalt  }
0x76: {  	_ =	shalt  }
0x77: {  	_ =	shalt  }
0x78: {  	_ =	shalt  }
0x79: {  	_ =	shalt  }
0x7a: {  	_ =	shalt  }
0x7b: {  	_ =	shalt  }
0x7c: {  	_ =	shalt  }
0x7d: {  	_ =	shalt  }
0x7e: {  	_ =	shalt  }
0x7f: {  	_ =	shalt  }
0x80: {  	_ =	shalt  }
0x81: {  	_ =	shalt  }
0x82: {  	_ =	shalt  }
0x83: {  	_ =	shalt  }
0x84: {  	_ =	shalt  }
0x85: {  	_ =	shalt  }
0x86: {  	_ =	shalt  }
0x87: {  	_ =	shalt  }
.Lfunc_end0:
.L_simem_size_0:
called_computation_lowered:
.L_overlay_start_0:
0x88: {  	s2 =	sld [smem:$0x3FD9]  }
0x89: {  	s3 =	sld [smem:$0x3FFE];
	_ =	sdelay $0x1  }
0x8a: {  	s1 =	srdreg.scid  }
0x8b: {  	s0 =	sand.u32 $0x1, s1  }
0x8c: {  	s16 =	sshll.u32 s0, $0xA;
	s2 =	sadd.s32 s3, s2  }
0x8d: {  	s2 =	sadd.s32 s2, s16  }
0x8e: {  	[smem:$0x3FC2] =	sst s2  }
0x8f: {  	_ = 	snop  }
0x90: {  	(tm) =	ssettm $0x1  }
0x91: {  	s17 =	sld [smem:$0x3FFB];
	_ =	sdelay $0x3  }
0x92: {  	_ =	strace s17  }
0x93: {  	s2 =	sld [smem:$0x3FFC];
	_ =	sdelay $0x3  }
0x94: {  	_ =	strace s2  }
0x95: {  	s2 =	sld [smem:$0x3FFD];
	_ =	sdelay $0x3  }
0x96: {  	_ =	strace s2  }
0x97: {  	_ =	strace $0x8FFFFFFF  }
0x98: {  	s18 =	sld [smem:$0x3FDB];
	_ =	sdelay $0x1  }
0x99: {  	s19 =	simm.s32 $_scs_section_size  }
0x9a: {  	s4 =	simm.s32 $_size__tile_overlayer_lowered;
	s5 =	simm.s32 $_tile_overlayer_lowered  }
0x9b: {  	s22 =	simm.s32 $0x1BFF;
	s21 =	sshll.u32 s5, $0x1;
	s2 =	sadd.s32 s19, s18  }
0x9c: {  	s6 =	simm.s32 $0x0;
	s20 =	sshll.u32 s4, $0x1;
	s4 =	sadd.s32 s21, s2  }
0x9d: {  	[timem:s6], [sflag:s22] =	dma.local [hbm:s4], s20  }
0x9e: {  	_ =	swait.ge [sflag:s22], s20  }
0x9f: {  	s3 =	ssub.s32 $0x0, s20;
	[sflag:s22] =	ssyncset.done $0x0  }
0xa0: {  	[sflag:s22] =	ssyncadd.s32 s3;
	_ =	sdelay $0x1  }
0xa1: {  	s23 =	simm.s32 $0x1B8B  }
0xa2: {  	_ =	swait.ge [sflag:s23], $0x1  }
0xa3: {  	[sflag:s23] =	ssyncset.done $0x0  }
0xa4: {  	s25 =	simm.s32 $0x1B8E;
	s24 =	sld [smem:$0x3FFE];
	[sflag:s23] =	ssyncadd.s32 $0xFFFFFFFF  }
0xa5: {  	s26 =	simm.s32 $execute0_lowered;
	[smem:$0x3FD2] =	sst s25  }
0xa6: {  	s4 =	sshll.u32 s26, $0x1;
	_ =	strace $0x80000046;
	[dreg:$0x1] =	wrdreg $0xFFFFFFFF  }
0xa7: {  	s28 =	simm.s32 $_size_execute0_lowered;
	s2 =	sadd.s32 s2, s4;
	[dreg:$0x0] =	wrdreg $0x0  }
0xa8: {  	s4 =	sshll.u32 s28, $0x1;
	[dreg:$0x2] =	wrdreg s2  }
0xa9: {  	[dreg:$0x3] =	wrdreg s4  }
0xaa: {  	[dreg:$0x4] =	wrdreg $0xC0  }
0xab: {  	_ =	task [dreg:s6], $0x5FFFF  }
0xac: {  	[dreg:$0x1] =	wrdreg $0xFFFFFFFF  }
0xad: {  	[dreg:$0x0] =	wrdreg $0x60  }
0xae: {  	[dreg:$0x2] =	wrdreg s24  }
0xaf: {  	[dreg:$0x3] =	wrdreg $0x90800  }
0xb0: {  	[dreg:$0x4] =	wrdreg $0x9  }
0xb1: {  	_ =	task.clear_ibuf [dreg:s6], $0x5FFFF;
	_ =	strace $0x90000046  }
0xb2: {  	s29 =	simm.s32 $0x9;
	_ =	strace $0x80000048  }
0xb3: {  	_ =	swait.ge [sflag:s29], $0x1  }
0xb4: {  	[sflag:s29] =	ssyncadd.s32 $0xFFFFFFFF  }
0xb5: {  	_ =	strace $0x90000048  }
0xb6: {  	_ =	sfence  }
0xb7: {  	s30 =	sld [smem:$0x0];
	_ =	sdelay $0x2  }
0xb8: {  	s31 =	sshll.u32 s1, $0xD;
	s1 =	sshrl.u32 s1, $0x2  }
0xb9: {  	s3 =	sand.u32 $0x4000, s31;
	s1 =	sadd.s32 s1, s30  }
0xba: {  	s0 =	sor.u32 s3, s0;
	s1 =	sshll.u32 s1, $0x11  }
0xbb: {  	s0 =	sor.u32 s1, s0  }
0xbc: {  	s0 =	sadd.s32 $0x8F2B, s0  }
0xbd: {  	[sflag:s0] =	ssyncadd.remote.s32 $0x1  }
0xbe: {  	_ =	sfence.sel $0xFFFF  }
0xbf: {  	[dreg:$0x0] =	wrdreg $0xFFFFFFFF;
	(pc) =	sbr.abs _section_cstart, $3  }
0xc0: {  	[dreg:$0x1] =	wrdreg $0xFFFFFFFF  }
0xc1: {  	_ =	task.clear_ibuf [dreg:s6], $0x2FFFF;
	_ =	strace $0x9FFFFFFF  }
0xc2: {  	(tm) =	ssettm $0x7FFFFFFF  }
0xc3: {  	_ =	shalt  }
tec
execute0_lowered:
.L_overlay_start_1:
0x0: {  	(tag) =	ssettag $0x1  }
0x1: {  	s1 =	srdreg.scid  }
0x2: {  	s1 =	sand.u32 $0x1, s1  }
0x3: {  	p0 =	seq.s32 s1, $0x1  }
.Ltmp0:
0x4: {  	_ = 	snop;
	(pc) =	sbr.rel @p0 .LBB2_6-.Ltmp0, $4  }
0x5: {  	s3 =	rddreg [dreg:$0x0]  }
0x6: {  	s2 =	rddreg [dreg:$0x1];
	s4 =	simm.s32 $0x0  }
0x7: {  	[smem:$0x7FF] =	sst s4  }
0x8: {  	s0 =	rddreg [dreg:$0x2];
	_ =	strace $0x80000047;
	s1 =	stileid.u32  }
0x9: {  	s4 =	smul.u32 $0xA00, s1;
	s5 =	sshll.u32 s1, $0x7  }
0xa: {  	s31 =	sshll.u32 s1, $0xA;
	s8 =	simm.s32 $0x200;
	s7 =	sadd.s32 s5, s3  }
0xb: {  	s6 =	sadd.s32 $0x5000, s31;
	s4 =	sadd.s32 s4, s3;
	s3 =	sadd.s32 s31, s2  }
0xc: {  	v0 =	vimm.f32 $0.0e+00;
	s5 =	sadd.s32 $0x2A00, s4;
	s4 =	sadd.s32 $0xCA00, s7;
	s7 =	simm.s32 $0x0  }
.LBB2_2:
0xd: {  	p0 =	sne.s32 s8, $0xFE00;
	[tilespmem:s7+$0x5070] =	vst v0  }
0xe: {  	[tilespmem:s7+$0x5000] =	vst v0  }
0xf: {  	[tilespmem:s7+$0x5010] =	vst v0  }
.Ltmp1:
0x10: {  	[tilespmem:s7+$0x5020] =	vst v0;
	(pc) =	sbr.rel @p0 .LBB2_2-.Ltmp1, $4  }
0x11: {  	[tilespmem:s7+$0x5030] =	vst v0  }
0x12: {  	[tilespmem:s7+$0x5040] =	vst v0  }
0x13: {  	[tilespmem:s7+$0x5050] =	vst v0  }
0x14: {  	[tilespmem:s7+$0x5060] =	vst v0;
	s7 =	sshra.s32 s8, $0x2;
	s8 =	sadd.s32 $0x200, s8  }
0x15: {  	[tilespmem:s7+$0x5070] =	vst v0  }
0x16: {  	[tilespmem:s7+$0x5000] =	vst v0  }
0x17: {  	[tilespmem:s7+$0x5010] =	vst v0  }
0x18: {  	[tilespmem:s7+$0x5020] =	vst v0  }
0x19: {  	[tilespmem:s7+$0x5030] =	vst v0  }
0x1a: {  	[tilespmem:s7+$0x5040] =	vst v0  }
0x1b: {  	[tilespmem:s7+$0x5050] =	vst v0  }
0x1c: {  	[tilespmem:s7+$0x5060] =	vst v0;
	v0 =	vlaneseq.u32  }
0x1d: {  	[tilespmem:$0x9000] =	vst v0;
	v1 =	vor.u32 $0x10, v0  }
0x1e: {  	[tilespmem:$0x9010] =	vst v1;
	v1 =	vor.u32 $0x20, v0  }
0x1f: {  	[tilespmem:$0x9020] =	vst v1;
	v1 =	vor.u32 $0x30, v0  }
0x20: {  	[tilespmem:$0x9030] =	vst v1;
	v1 =	vor.u32 $0x40, v0  }
0x21: {  	[tilespmem:$0x9040] =	vst v1;
	v1 =	vor.u32 $0x50, v0  }
0x22: {  	[tilespmem:$0x9050] =	vst v1;
	v1 =	vor.u32 $0x60, v0  }
0x23: {  	v0 =	vor.u32 $0x70, v0;
	[tilespmem:$0x9060] =	vst v1  }
0x24: {  	s30 =	simm.s32 $0x1;
	[tilespmem:$0x9070] =	vst v0  }
0x25: {  	[spmem:s3] =	stream.linear.scatter [tilespmem:s6], [sflag:$0x1], $0x400, $0x38;
	[tilespmem:$0x9480] =	vst v63  }
0x26: {  	_ =	swait.ge [sflag:s30], $0x400  }
0x27: {  	[sflag:s30] =	ssyncset.done $0x0  }
0x28: {  	[sflag:s30] =	ssyncadd.s32 $0xFFFFFC00  }
0x29: {  	s31 =	simm.s32 $0x0;
	[bflag:$0x0] =	sbarrier.arrive $0xFFFF  }
0x2a: {  	[tilespmem:s31], [sflag:$0x1] =	stream.linear.gather [hbm4b:s5+s31], $0x5000, $0x38;
	[tilespmem:$0x9480] =	vst v63  }
0x2b: {  	_ =	swait.ge [sflag:s30], $0x5000  }
0x2c: {  	[sflag:s30] =	ssyncset.done $0x0  }
0x2d: {  	v0 =	vimm.f32 $1.000000000e+00;
	s6 =	simm.s32 $0x5000;
	s5 =	simm.s32 $0x1C0;
	[sflag:s30] =	ssyncadd.s32 $0xFFFFB000  }
.LBB2_4:
0x2e: {  	s7 =	sshra.s32 s5, $0x2  }
0x2f: {  	v1 =	vld [tilespmem:s7+$0xFFFFFF90];
	_ =	sdelay $0x7  }
0x30: {  	[tilespmem:v1+s6+$0x0] =	vst.idx.add.f32.msk $0xffff, v0  }
0x31: {  	v1 =	vld [tilespmem:s7+$0xFFFFFFA0];
	_ =	sdelay $0x7  }
0x32: {  	[tilespmem:v1+s6+$0x0] =	vst.idx.add.f32.msk $0xffff, v0  }
0x33: {  	v1 =	vld [tilespmem:s7+$0xFFFFFFB0];
	_ =	sdelay $0x7  }
0x34: {  	[tilespmem:v1+s6+$0x0] =	vst.idx.add.f32.msk $0xffff, v0  }
0x35: {  	v1 =	vld [tilespmem:s7+$0xFFFFFFC0];
	_ =	sdelay $0x7  }
0x36: {  	[tilespmem:v1+s6+$0x0] =	vst.idx.add.f32.msk $0xffff, v0  }
0x37: {  	v1 =	vld [tilespmem:s7+$0xFFFFFFD0];
	_ =	sdelay $0x7  }
0x38: {  	[tilespmem:v1+s6+$0x0] =	vst.idx.add.f32.msk $0xffff, v0  }
0x39: {  	v1 =	vld [tilespmem:s7+$0xFFFFFFE0];
	_ =	sdelay $0x7  }
0x3a: {  	[tilespmem:v1+s6+$0x0] =	vst.idx.add.f32.msk $0xffff, v0  }
0x3b: {  	v1 =	vld [tilespmem:s7+$0xFFFFFFF0];
	_ =	sdelay $0x7  }
0x3c: {  	[tilespmem:v1+s6+$0x0] =	vst.idx.add.f32.msk $0xffff, v0  }
0x3d: {  	v1 =	vld [tilespmem:s7+$0x0];
	_ =	sdelay $0x2  }
0x3e: {  	p0 =	sne.s32 s5, $0x13FC0  }
.Ltmp2:
0x3f: {  	_ = 	snop;
	(pc) =	sbr.rel @p0 .LBB2_4-.Ltmp2, $2  }
0x40: {  	_ =	sdelay $0x2  }
0x41: {  	s5 =	sadd.s32 $0x200, s5;
	[tilespmem:v1+s6+$0x0] =	vst.idx.add.f32.msk $0xffff, v0  }
0x42: {  	s5 =	simm.s32 $0x80  }
0x43: {  	s6 =	simm.s32 $0x9000;
	s7 =	simm.s32 $0x5000;
	s30 =	simm.s32 $0x1  }
0x44: {  	[spmem:s2] =	stream.indirect.scatter.add.f32 [tilespmem:s7], [sflag:$0x1], $0x80, s6, s5, $0xb8;
	[tilespmem:$0x9480] =	vst v63  }
0x45: {  	_ =	swait.ge [sflag:s30], $0x4000  }
0x46: {  	[sflag:s30] =	ssyncset.done $0x0  }
0x47: {  	s31 =	sshll.u32 s1, $0x6;
	[sflag:s30] =	ssyncadd.s32 $0xFFFFC000  }
0x48: {  	s3 =	sshrl.u32 s3, $0x3;
	s5 =	sor.u32 $0x1C01, s31;
	[bflag:$0x0] =	sbarrier.arrive $0xFFFF  }
0x49: {  	[hbm:s4], [sflag:s5] =	dma.local [spmem:s3], $0x80  }
0x4a: {  	_ =	swait.ge [sflag:s30], $0x80  }
0x4b: {  	[sflag:s30] =	ssyncset.done $0x0  }
0x4c: {  	[sflag:s30] =	ssyncadd.s32 $0xFFFFFF80  }
.LBB2_6:
0x4d: {  	_ =	sfence.sel $0x180000  }
0x4e: {  	[bflag:$0x0] =	sbarrier.arrive $0xFFFF  }
0x4f: {  	p0 =	sne.s32 s1, $0x0;
	_ =	strace $0x90000047  }
0x50: {  	s0 =	sadd.s32 @!p0 $0x100000, s0;
	[bflag:$0x2] =	sbarrier.arrive $0xFFFF  }
0x51: {  	[sflag:s0] =	ssyncadd.tile.s32 @!p0 $0x1;
	_ =	shalt  }
.Lfunc_end2:
_tile_overlayer_lowered:
.L_overlay_start_2:
0x52: {  	(tag) =	ssettag $0x2  }
0x53: {  	s0 =	rddreg [dreg:$0x0];
	s2 =	stileid.u32  }
0x54: {  	s1 =	rddreg [dreg:$0x1];
	p0 =	sne.s32 s2, $0x0  }
0x55: {  	s3 =	rddreg [dreg:$0x2];
	[bflag:$0x3] =	sbarrier.arrive $0xFFFF;
	s2 =	simm.s32 @!p0 $0x1C01  }
0x56: {  	[timem:s3], [sflag:s2] =	dma.local @!p0 [hbm:s0], s1  }
0x57: {  	s0 =	simm.s32 @!p0 $0x1  }
0x58: {  	_ =	swait.ge @!p0 [sflag:s0], s1  }
0x59: {  	s1 =	ssub.s32 @!p0 $0x0, s1;
	[sflag:s0] =	ssyncset.done @!p0 $0x0  }
0x5a: {  	[sflag:s0] =	ssyncadd.s32 @!p0 s1  }
0x5b: {  	[bflag:$0x3] =	sbarrier.arrive $0xFFFF  }
0x5c: {  	_ =	shalt  }

</sc_bundles>
